<compile_context>
chip_gen: v7x
topology: tpu7x:2x2x1
jax: 0.10.2.dev20260603
libtpu: 0.0.44.dev20260713+nightly
codegen_flags: <defaults>
</compile_context>

<pallas_src>
import functools

import jax
import jax.numpy as jnp
from jax import lax
from jax.experimental import pallas as pl
from jax.experimental.pallas import tpu as pltpu
from jax.experimental.pallas import tpu_sc as plsc

N_EDGES = 320000
D_FEAT = 128
N_SEG = 10000

NUM_CORES = 2
NUM_SUBCORES = 16
LANES = 16
VPR = D_FEAT // LANES

BLK = 128
HALF = BLK // 2
NBLK = N_EDGES // BLK
JMAX = -(-NBLK // NUM_SUBCORES)
JMAX2 = -(-JMAX // 2)
SPC = 5120
ACC_ROWS = SPC + 8
DUMP = SPC
ROWS_TILE = SPC // NUM_SUBCORES
CH = 64


def _sc_segment_mean(features, seg32, bounds):
  mesh = plsc.VectorSubcoreMesh(core_axis_name="c", subcore_axis_name="s")

  @functools.partial(
      pl.kernel,
      out_type=jax.ShapeDtypeStruct((NUM_CORES * SPC, D_FEAT), jnp.float32),
      mesh=mesh,
      scratch_types=[
          pltpu.VMEM_SHARED((ACC_ROWS, D_FEAT), jnp.float32),
          pltpu.VMEM_SHARED((ACC_ROWS, D_FEAT), jnp.float32),
          pltpu.VMEM((BLK, D_FEAT), jnp.float32),
          pltpu.VMEM((BLK, D_FEAT), jnp.float32),
          pltpu.VMEM((HALF, D_FEAT), jnp.float32),
          pltpu.VMEM((BLK,), jnp.int32),
          pltpu.VMEM((2, HALF), jnp.int32),
          pltpu.VMEM((4, LANES), jnp.int32),
          pltpu.SemaphoreType.DMA,
          pltpu.SemaphoreType.DMA,
          pltpu.SemaphoreType.DMA,
      ],
  )
  def k(feat_hbm, seg_hbm, bounds_hbm, out_hbm, acc, cacc,
        feat_a, feat_b, ones_v, idx_v, idx2_v, bounds_v, sem_a, sem_b, csem):
    c = lax.axis_index("c")
    s = lax.axis_index("s")
    zeros16 = jnp.zeros((LANES,), jnp.float32)
    ones16 = jnp.ones((LANES,), jnp.float32)

    pltpu.sync_copy(bounds_hbm, bounds_v)

    def fill(i, _):
      r = i // VPR
      k8 = i % VPR
      feat_a[r, pl.ds(k8 * LANES, LANES)] = zeros16
      return 0
    lax.fori_loop(0, BLK * VPR, fill, 0)

    def fill1(i, _):
      r = i // VPR
      k8 = i % VPR
      ones_v[r, pl.ds(k8 * LANES, LANES)] = ones16
      return 0
    lax.fori_loop(0, HALF * VPR, fill1, 0)

    def zero_acc(kk, _):
      r0 = s * ROWS_TILE + kk * CH
      pltpu.sync_copy(feat_a.at[pl.ds(0, CH)], acc.at[pl.ds(r0, CH)])
      pltpu.sync_copy(feat_a.at[pl.ds(0, CH)], cacc.at[pl.ds(r0, CH)])
      return 0
    lax.fori_loop(0, ROWS_TILE // CH, zero_acc, 0)

    @pl.when(s == 0)
    def _():
      pltpu.sync_copy(feat_a.at[pl.ds(0, 8)], acc.at[pl.ds(SPC, 8)])
      pltpu.sync_copy(feat_a.at[pl.ds(0, 8)], cacc.at[pl.ds(SPC, 8)])

    plsc.subcore_barrier()

    blo = bounds_v[2 * c, pl.ds(0, LANES)][0]
    bhi = bounds_v[2 * c + 1, pl.ds(0, LANES)][0]
    id0 = c * SPC

    def start_load(blk, fv, sem):
      e0 = pl.multiple_of(blk * BLK, BLK)
      pltpu.async_copy(feat_hbm.at[pl.ds(e0, BLK)], fv, sem)

    def wait_load(blk, fv, sem):
      e0 = pl.multiple_of(blk * BLK, BLK)
      pltpu.make_async_copy(feat_hbm.at[pl.ds(e0, BLK)], fv, sem).wait()

    blk0 = blo + s

    @pl.when(blk0 < bhi)
    def _():
      start_load(blk0, feat_a, sem_a)

    bufs = ((feat_a, sem_a), (feat_b, sem_b))

    def body(j2, _):
      for p in range(2):
        fv, sem = bufs[p]
        nfv, nsem = bufs[1 - p]
        blk = blo + s + (j2 * 2 + p) * NUM_SUBCORES
        nxt = blk + NUM_SUBCORES

        @pl.when(nxt < bhi)
        def _():
          start_load(nxt, nfv, nsem)

        @pl.when(blk < bhi)
        def _():
          e0 = pl.multiple_of(blk * BLK, BLK)
          pltpu.sync_copy(seg_hbm.at[pl.ds(e0, BLK)], idx_v)
          for kk in range(BLK // LANES):
            v = idx_v[pl.ds(kk * LANES, LANES)] - id0
            ok = (v >= 0) & (v < SPC)
            w = jnp.where(ok, v, DUMP)
            idx_v[pl.ds(kk * LANES, LANES)] = w
            idx2_v[kk // (HALF // LANES),
                   pl.ds((kk % (HALF // LANES)) * LANES, LANES)] = w
          wait_load(blk, fv, sem)
          c0 = pltpu.async_copy(ones_v, cacc.at[idx2_v.at[0]], csem, add=True)
          c1 = pltpu.async_copy(ones_v, cacc.at[idx2_v.at[1]], csem, add=True)
          pltpu.sync_copy(fv, acc.at[idx_v], add=True)
          c0.wait()
          c1.wait()
      return 0
    lax.fori_loop(0, JMAX2, body, 0)

    plsc.subcore_barrier()

    def writeout(kk, _):
      r0 = s * ROWS_TILE + kk * CH
      pltpu.sync_copy(acc.at[pl.ds(r0, CH)], feat_a.at[pl.ds(0, CH)])
      pltpu.sync_copy(cacc.at[pl.ds(r0, CH)], feat_b.at[pl.ds(0, CH)])

      def div_row(r, _):
        cnt = feat_b[r, pl.ds(0, LANES)]
        pick = cnt > 0.0
        d = jnp.maximum(cnt, 1.0)
        for k8 in range(VPR):
          sl = pl.ds(k8 * LANES, LANES)
          feat_a[r, sl] = jnp.where(pick, feat_a[r, sl] / d, 0.0)
        return 0
      lax.fori_loop(0, CH, div_row, 0)

      pltpu.sync_copy(feat_a.at[pl.ds(0, CH)],
                      out_hbm.at[pl.ds(c * SPC + r0, CH)])
      return 0
    lax.fori_loop(0, ROWS_TILE // CH, writeout, 0)

  return k(features, seg32, bounds)


@jax.jit
def kernel(features, segments):
  seg32 = segments.astype(jnp.int32)
  e0 = jnp.searchsorted(seg32, SPC).astype(jnp.int32)
  bounds = jnp.stack(
      [jnp.int32(0), (e0 + BLK - 1) // BLK, e0 // BLK, jnp.int32(NBLK)])
  bounds = jnp.broadcast_to(bounds[:, None], (4, LANES)).astype(jnp.int32)
  out = _sc_segment_mean(features, seg32, bounds)
  return out[:N_SEG]

# --- scband reference (transcript-rebuilt; emitter-appended) ---
"""Pipeline reference for scband-segmented-mean-87454124082187 (READ-ONLY COPY).

The authoritative reference and input builder live on the scoring server;
editing this copy changes nothing except your own understanding.
"""

import jax, jax.numpy as jnp
import numpy as np

N_EDGES = 320000
D_FEAT = 128
N_SEGMENTS = 10000

def setup_inputs(seed: int = 0) -> dict:
    key = jax.random.key(seed)
    k1, k2 = jax.random.split(key)
    features = jax.random.normal(k1, (N_EDGES, D_FEAT), dtype=jnp.float32)
    segments = jnp.sort(jax.random.randint(k2, (N_EDGES,), 0, N_SEGMENTS, dtype=jnp.int64))
    return {"features": features, "segments": segments}

def reference(features, segments):
    # tf.math.segment_mean: per-segment mean; empty segments produce 0.
    num_segments = N_SEGMENTS
    seg_sum = jax.ops.segment_sum(features, segments, num_segments=num_segments)
    counts = jax.ops.segment_sum(jnp.ones((features.shape[0],), dtype=features.dtype), segments, num_segments=num_segments)
    safe_counts = jnp.maximum(counts, 1.0)
    out = jnp.where(counts[:, None] > 0, seg_sum / safe_counts[:, None], 0.0)
    return out

if __name__ == "__main__":
    import jax
    _d = setup_inputs()
    print(jax.jit(kernel)(*tuple(_d.values())))

</pallas_src>

<mosaic_0001>
#map = affine_map<(d0, d1) -> (0, 0)>
#map1 = affine_map<(d0, d1) -> (0)>
module attributes {stable_mosaic.version = 14 : i64} {
  func.func @k(%arg0: i32, %arg1: i32, %arg2: memref<320000x128xf32, #tpu.memory_space<hbm>>, %arg3: memref<320000xi32, #tpu.memory_space<hbm>>, %arg4: memref<4x16xi32, #tpu.memory_space<hbm>>, %arg5: memref<10240x128xf32, #tpu.memory_space<hbm>>, %arg6: memref<5128x128xf32, #tpu.memory_space<vmem_shared>>, %arg7: memref<5128x128xf32, #tpu.memory_space<vmem_shared>>, %arg8: memref<128x128xf32, #tpu.memory_space<vmem>>, %arg9: memref<128x128xf32, #tpu.memory_space<vmem>>, %arg10: memref<64x128xf32, #tpu.memory_space<vmem>>, %arg11: memref<128xi32, #tpu.memory_space<vmem>>, %arg12: memref<2x64xi32, #tpu.memory_space<vmem>>, %arg13: memref<4x16xi32, #tpu.memory_space<vmem>>, %arg14: memref<!tpu.dma_semaphore, #tpu.memory_space<semaphore_mem>>, %arg15: memref<!tpu.dma_semaphore, #tpu.memory_space<semaphore_mem>>, %arg16: memref<!tpu.dma_semaphore, #tpu.memory_space<semaphore_mem>>) attributes {dimension_semantics = [#tpu.dimension_semantics<core_parallel>, #tpu.dimension_semantics<subcore_parallel>], iteration_bounds = array<i64: 2, 16>, scalar_prefetch = 0 : i64, scratch_operands = 11 : i64, tpu.core_type = #tpu.core_type<sc_vector_subcore>, window_params = [{transform_indices = #map}, {transform_indices = #map1}, {transform_indices = #map}, {transform_indices = #map}]} {
    %broadcast_in_dim3A = arith.constant 0.000000e+00 : f32
    %broadcast_in_dim3A_0 = vector.broadcast %broadcast_in_dim3A : f32 to vector<16xf32>
    %broadcast_in_dim3A_1 = arith.constant 1.000000e+00 : f32
    %broadcast_in_dim3A_2 = vector.broadcast %broadcast_in_dim3A_1 : f32 to vector<16xf32>
    "tpu.region"() ({
      %run_scoped3A = tpu.sem_alloc : memref<!tpu.dma_semaphore, #tpu.memory_space<semaphore_mem>>
      tpu.enqueue_dma source(%arg4 : memref<4x16xi32, #tpu.memory_space<hbm>>) target(%arg13 : memref<4x16xi32, #tpu.memory_space<vmem>>) target_semaphore(%run_scoped3A : memref<!tpu.dma_semaphore, #tpu.memory_space<semaphore_mem>>)
      tpu.wait_dma2 semaphore(%run_scoped3A : memref<!tpu.dma_semaphore, #tpu.memory_space<semaphore_mem>>) src(%arg4 : memref<4x16xi32, #tpu.memory_space<hbm>>) dst(%arg13 : memref<4x16xi32, #tpu.memory_space<vmem>>)
      tpu.yield
    }) : () -> ()
    %scan3A = arith.constant 0 : i32
    %scan3A_3 = arith.constant 0 : i32
    %scan3A_4 = arith.constant 1024 : i32
    %scan3A_5 = arith.addi %scan3A_3, %scan3A_4 : i32
    %scan3A_6 = arith.constant 1 : i32
    %scan3A_7 = scf.for %scan3A_59 = %scan3A_3 to %scan3A_5 step %scan3A_6 iter_args(%scan3A_60 = %scan3A) -> (i32)  : i32 {
      %jit3A = arith.constant 8 : i32
      %div3A = arith.divsi %scan3A_59, %jit3A : i32
      %sign3A = arith.constant 0 : i32
      %sign3A_61 = arith.cmpi sgt, %scan3A_59, %sign3A : i32
      %sign3A_62 = arith.extui %sign3A_61 : i1 to i32
      %sign3A_63 = arith.constant 0 : i32
      %sign3A_64 = arith.cmpi slt, %scan3A_59, %sign3A_63 : i32
      %sign3A_65 = arith.extui %sign3A_64 : i1 to i32
      %sign3A_66 = arith.subi %sign3A_62, %sign3A_65 : i32
      %sign3A_67 = arith.constant 0 : i32
      %sign3A_68 = arith.cmpi sgt, %jit3A, %sign3A_67 : i32
      %sign3A_69 = arith.extui %sign3A_68 : i1 to i32
      %sign3A_70 = arith.constant 0 : i32
      %sign3A_71 = arith.cmpi slt, %jit3A, %sign3A_70 : i32
      %sign3A_72 = arith.extui %sign3A_71 : i1 to i32
      %sign3A_73 = arith.subi %sign3A_69, %sign3A_72 : i32
      %ne3A = arith.cmpi ne, %sign3A_66, %sign3A_73 : i32
      %rem3A = arith.remsi %scan3A_59, %jit3A : i32
      %ne3A_74 = arith.constant 0 : i32
      %ne3A_75 = arith.cmpi ne, %rem3A, %ne3A_74 : i32
      %and3A = arith.andi %ne3A, %ne3A_75 : i1
      %sub3A = arith.constant 1 : i32
      %sub3A_76 = arith.subi %div3A, %sub3A : i32
      %select_n3A = arith.select %and3A, %sub3A_76, %div3A : i32
      %jit3A_77 = arith.constant 8 : i32
      %eq3A_78 = arith.constant 0 : i32
      %eq3A_79 = arith.cmpi eq, %jit3A_77, %eq3A_78 : i32
      %jit3A_80 = arith.constant 1 : i32
      %select_n3A_81 = arith.select %eq3A_79, %jit3A_80, %jit3A_77 : i32
      %rem3A_82 = arith.remsi %scan3A_59, %select_n3A_81 : i32
      %ne3A_83 = arith.constant 0 : i32
      %ne3A_84 = arith.cmpi ne, %rem3A_82, %ne3A_83 : i32
      %lt3A_85 = arith.constant 0 : i32
      %lt3A_86 = arith.cmpi slt, %rem3A_82, %lt3A_85 : i32
      %lt3A_87 = arith.constant 0 : i32
      %lt3A_88 = arith.cmpi slt, %select_n3A_81, %lt3A_87 : i32
      %ne3A_89 = arith.xori %lt3A_86, %lt3A_88 : i1
      %and3A_90 = arith.andi %ne3A_89, %ne3A_84 : i1
      %add3A_91 = arith.addi %rem3A_82, %select_n3A_81 : i32
      %select_n3A_92 = arith.select %and3A_90, %add3A_91, %rem3A_82 : i32
      %mul3A_93 = arith.constant 16 : i32
      %mul3A_94 = arith.muli %select_n3A_92, %mul3A_93 : i32
      %swap3A = arith.index_cast %select_n3A : i32 to index
      %swap3A_95 = arith.index_cast %mul3A_94 : i32 to index
      %swap3A_96 = tpu.vector_load %arg8[%swap3A, %swap3A_95] {strides = array<i32>} : memref<128x128xf32, #tpu.memory_space<vmem>>, vector<1x16xf32>,
      %swap3A_97 = vector.shape_cast %swap3A_96 : vector<1x16xf32> to vector<16xf32>
      %swap3A_98 = vector.shape_cast %broadcast_in_dim3A_0 : vector<16xf32> to vector<1x16xf32>
      tpu.vector_store %arg8[%swap3A, %swap3A_95], %swap3A_98 {strides = array<i32>} : memref<128x128xf32, #tpu.memory_space<vmem>>, vector<1x16xf32>,
      %scan3A_99 = arith.constant 0 : i32
      scf.yield %scan3A_99 : i32
    }
    %scan3A_8 = arith.constant 1024 : i32
    %scan3A_9 = arith.constant 0 : i32
    %scan3A_10 = arith.constant 0 : i32
    %scan3A_11 = arith.constant 512 : i32
    %scan3A_12 = arith.addi %scan3A_10, %scan3A_11 : i32
    %scan3A_13 = arith.constant 1 : i32
    %scan3A_14 = scf.for %scan3A_59 = %scan3A_10 to %scan3A_12 step %scan3A_13 iter_args(%scan3A_60 = %scan3A_9) -> (i32)  : i32 {
      %jit3A = arith.constant 8 : i32
      %div3A = arith.divsi %scan3A_59, %jit3A : i32
      %sign3A = arith.constant 0 : i32
      %sign3A_61 = arith.cmpi sgt, %scan3A_59, %sign3A : i32
      %sign3A_62 = arith.extui %sign3A_61 : i1 to i32
      %sign3A_63 = arith.constant 0 : i32
      %sign3A_64 = arith.cmpi slt, %scan3A_59, %sign3A_63 : i32
      %sign3A_65 = arith.extui %sign3A_64 : i1 to i32
      %sign3A_66 = arith.subi %sign3A_62, %sign3A_65 : i32
      %sign3A_67 = arith.constant 0 : i32
      %sign3A_68 = arith.cmpi sgt, %jit3A, %sign3A_67 : i32
      %sign3A_69 = arith.extui %sign3A_68 : i1 to i32
      %sign3A_70 = arith.constant 0 : i32
      %sign3A_71 = arith.cmpi slt, %jit3A, %sign3A_70 : i32
      %sign3A_72 = arith.extui %sign3A_71 : i1 to i32
      %sign3A_73 = arith.subi %sign3A_69, %sign3A_72 : i32
      %ne3A = arith.cmpi ne, %sign3A_66, %sign3A_73 : i32
      %rem3A = arith.remsi %scan3A_59, %jit3A : i32
      %ne3A_74 = arith.constant 0 : i32
      %ne3A_75 = arith.cmpi ne, %rem3A, %ne3A_74 : i32
      %and3A = arith.andi %ne3A, %ne3A_75 : i1
      %sub3A = arith.constant 1 : i32
      %sub3A_76 = arith.subi %div3A, %sub3A : i32
      %select_n3A = arith.select %and3A, %sub3A_76, %div3A : i32
      %jit3A_77 = arith.constant 8 : i32
      %eq3A_78 = arith.constant 0 : i32
      %eq3A_79 = arith.cmpi eq, %jit3A_77, %eq3A_78 : i32
      %jit3A_80 = arith.constant 1 : i32
      %select_n3A_81 = arith.select %eq3A_79, %jit3A_80, %jit3A_77 : i32
      %rem3A_82 = arith.remsi %scan3A_59, %select_n3A_81 : i32
      %ne3A_83 = arith.constant 0 : i32
      %ne3A_84 = arith.cmpi ne, %rem3A_82, %ne3A_83 : i32
      %lt3A_85 = arith.constant 0 : i32
      %lt3A_86 = arith.cmpi slt, %rem3A_82, %lt3A_85 : i32
      %lt3A_87 = arith.constant 0 : i32
      %lt3A_88 = arith.cmpi slt, %select_n3A_81, %lt3A_87 : i32
      %ne3A_89 = arith.xori %lt3A_86, %lt3A_88 : i1
      %and3A_90 = arith.andi %ne3A_89, %ne3A_84 : i1
      %add3A_91 = arith.addi %rem3A_82, %select_n3A_81 : i32
      %select_n3A_92 = arith.select %and3A_90, %add3A_91, %rem3A_82 : i32
      %mul3A_93 = arith.constant 16 : i32
      %mul3A_94 = arith.muli %select_n3A_92, %mul3A_93 : i32
      %swap3A = arith.index_cast %select_n3A : i32 to index
      %swap3A_95 = arith.index_cast %mul3A_94 : i32 to index
      %swap3A_96 = tpu.vector_load %arg10[%swap3A, %swap3A_95] {strides = array<i32>} : memref<64x128xf32, #tpu.memory_space<vmem>>, vector<1x16xf32>,
      %swap3A_97 = vector.shape_cast %swap3A_96 : vector<1x16xf32> to vector<16xf32>
      %swap3A_98 = vector.shape_cast %broadcast_in_dim3A_2 : vector<16xf32> to vector<1x16xf32>
      tpu.vector_store %arg10[%swap3A, %swap3A_95], %swap3A_98 {strides = array<i32>} : memref<64x128xf32, #tpu.memory_space<vmem>>, vector<1x16xf32>,
      %scan3A_99 = arith.constant 0 : i32
      scf.yield %scan3A_99 : i32
    }
    %scan3A_15 = arith.constant 512 : i32
    %scan3A_16 = arith.constant 0 : i32
    %scan3A_17 = arith.constant 0 : i32
    %scan3A_18 = arith.constant 5 : i32
    %scan3A_19 = arith.addi %scan3A_17, %scan3A_18 : i32
    %scan3A_20 = arith.constant 1 : i32
    %scan3A_21 = scf.for %scan3A_59 = %scan3A_17 to %scan3A_19 step %scan3A_20 iter_args(%scan3A_60 = %scan3A_16) -> (i32)  : i32 {
      %mul3A_61 = arith.constant 320 : i32
      %mul3A_62 = arith.muli %arg1, %mul3A_61 : i32
      %mul3A_63 = arith.constant 64 : i32
      %mul3A_64 = arith.muli %scan3A_59, %mul3A_63 : i32
      %add3A_65 = arith.addi %mul3A_62, %mul3A_64 : i32
      "tpu.region"() ({
        %run_scoped3A = tpu.sem_alloc : memref<!tpu.dma_semaphore, #tpu.memory_space<semaphore_mem>>
        %dma_start3A = arith.constant 0 : i32
        %dma_start3A_67 = arith.constant 0 : i32
        %dma_start3A_68 = tpu.memref_slice %arg8[%dma_start3A, %dma_start3A_67] : memref<128x128xf32, #tpu.memory_space<vmem>> -> memref<64x128xf32, #tpu.memory_space<vmem>>
        %dma_start3A_69 = arith.constant 0 : i32
        %dma_start3A_70 = tpu.memref_slice %arg6[%add3A_65, %dma_start3A_69] : memref<5128x128xf32, #tpu.memory_space<vmem_shared>> -> memref<64x128xf32, #tpu.memory_space<vmem_shared>>
        %dma_start3A_71 = arith.constant 0 : i32
        %dma_start3A_72 = tpu.memref_slice %arg6[%add3A_65, %dma_start3A_71] : memref<5128x128xf32, #tpu.memory_space<vmem_shared>> -> memref<64x128xf32, #tpu.memory_space<vmem_shared>>
        %dma_start3A_73 = arith.constant 0 : i32
        %dma_start3A_74 = arith.constant 0 : i32
        %dma_start3A_75 = tpu.memref_slice %arg8[%dma_start3A_73, %dma_start3A_74] : memref<128x128xf32, #tpu.memory_space<vmem>> -> memref<64x128xf32, #tpu.memory_space<vmem>>
        tpu.enqueue_dma source(%dma_start3A_75 : memref<64x128xf32, #tpu.memory_space<vmem>>) target(%dma_start3A_72 : memref<64x128xf32, #tpu.memory_space<vmem_shared>>) target_semaphore(%run_scoped3A : memref<!tpu.dma_semaphore, #tpu.memory_space<semaphore_mem>>)
        %dma_wait3A = arith.constant 0 : i32
        %dma_wait3A_76 = arith.constant 0 : i32
        %dma_wait3A_77 = tpu.memref_slice %arg8[%dma_wait3A, %dma_wait3A_76] : memref<128x128xf32, #tpu.memory_space<vmem>> -> memref<64x128xf32, #tpu.memory_space<vmem>>
        %dma_wait3A_78 = arith.constant 0 : i32
        %dma_wait3A_79 = tpu.memref_slice %arg6[%add3A_65, %dma_wait3A_78] : memref<5128x128xf32, #tpu.memory_space<vmem_shared>> -> memref<64x128xf32, #tpu.memory_space<vmem_shared>>
        %dma_wait3A_80 = arith.constant 0 : i32
        %dma_wait3A_81 = tpu.memref_slice %arg6[%add3A_65, %dma_wait3A_80] : memref<5128x128xf32, #tpu.memory_space<vmem_shared>> -> memref<64x128xf32, #tpu.memory_space<vmem_shared>>
        %dma_wait3A_82 = arith.constant 0 : i32
        %dma_wait3A_83 = arith.constant 0 : i32
        %dma_wait3A_84 = tpu.memref_slice %arg8[%dma_wait3A_82, %dma_wait3A_83] : memref<128x128xf32, #tpu.memory_space<vmem>> -> memref<64x128xf32, #tpu.memory_space<vmem>>
        tpu.wait_dma2 semaphore(%run_scoped3A : memref<!tpu.dma_semaphore, #tpu.memory_space<semaphore_mem>>) src(%dma_wait3A_84 : memref<64x128xf32, #tpu.memory_space<vmem>>) dst(%dma_wait3A_81 : memref<64x128xf32, #tpu.memory_space<vmem_shared>>)
        tpu.yield
      }) : () -> ()
      "tpu.region"() ({
        %run_scoped3A = tpu.sem_alloc : memref<!tpu.dma_semaphore, #tpu.memory_space<semaphore_mem>>
        %dma_start3A = arith.constant 0 : i32
        %dma_start3A_67 = arith.constant 0 : i32
        %dma_start3A_68 = tpu.memref_slice %arg8[%dma_start3A, %dma_start3A_67] : memref<128x128xf32, #tpu.memory_space<vmem>> -> memref<64x128xf32, #tpu.memory_space<vmem>>
        %dma_start3A_69 = arith.constant 0 : i32
        %dma_start3A_70 = tpu.memref_slice %arg7[%add3A_65, %dma_start3A_69] : memref<5128x128xf32, #tpu.memory_space<vmem_shared>> -> memref<64x128xf32, #tpu.memory_space<vmem_shared>>
        %dma_start3A_71 = arith.constant 0 : i32
        %dma_start3A_72 = tpu.memref_slice %arg7[%add3A_65, %dma_start3A_71] : memref<5128x128xf32, #tpu.memory_space<vmem_shared>> -> memref<64x128xf32, #tpu.memory_space<vmem_shared>>
        %dma_start3A_73 = arith.constant 0 : i32
        %dma_start3A_74 = arith.constant 0 : i32
        %dma_start3A_75 = tpu.memref_slice %arg8[%dma_start3A_73, %dma_start3A_74] : memref<128x128xf32, #tpu.memory_space<vmem>> -> memref<64x128xf32, #tpu.memory_space<vmem>>
        tpu.enqueue_dma source(%dma_start3A_75 : memref<64x128xf32, #tpu.memory_space<vmem>>) target(%dma_start3A_72 : memref<64x128xf32, #tpu.memory_space<vmem_shared>>) target_semaphore(%run_scoped3A : memref<!tpu.dma_semaphore, #tpu.memory_space<semaphore_mem>>)
        %dma_wait3A = arith.constant 0 : i32
        %dma_wait3A_76 = arith.constant 0 : i32
        %dma_wait3A_77 = tpu.memref_slice %arg8[%dma_wait3A, %dma_wait3A_76] : memref<128x128xf32, #tpu.memory_space<vmem>> -> memref<64x128xf32, #tpu.memory_space<vmem>>
        %dma_wait3A_78 = arith.constant 0 : i32
        %dma_wait3A_79 = tpu.memref_slice %arg7[%add3A_65, %dma_wait3A_78] : memref<5128x128xf32, #tpu.memory_space<vmem_shared>> -> memref<64x128xf32, #tpu.memory_space<vmem_shared>>
        %dma_wait3A_80 = arith.constant 0 : i32
        %dma_wait3A_81 = tpu.memref_slice %arg7[%add3A_65, %dma_wait3A_80] : memref<5128x128xf32, #tpu.memory_space<vmem_shared>> -> memref<64x128xf32, #tpu.memory_space<vmem_shared>>
        %dma_wait3A_82 = arith.constant 0 : i32
        %dma_wait3A_83 = arith.constant 0 : i32
        %dma_wait3A_84 = tpu.memref_slice %arg8[%dma_wait3A_82, %dma_wait3A_83] : memref<128x128xf32, #tpu.memory_space<vmem>> -> memref<64x128xf32, #tpu.memory_space<vmem>>
        tpu.wait_dma2 semaphore(%run_scoped3A : memref<!tpu.dma_semaphore, #tpu.memory_space<semaphore_mem>>) src(%dma_wait3A_84 : memref<64x128xf32, #tpu.memory_space<vmem>>) dst(%dma_wait3A_81 : memref<64x128xf32, #tpu.memory_space<vmem_shared>>)
        tpu.yield
      }) : () -> ()
      %scan3A_66 = arith.constant 0 : i32
      scf.yield %scan3A_66 : i32
    }
    %scan3A_22 = arith.constant 5 : i32
    %eq3A = arith.constant 0 : i32
    %eq3A_23 = arith.cmpi eq, %arg1, %eq3A : i32
    %convert_element_type3A = arith.extui %eq3A_23 : i1 to i32
    %cond3A = arith.constant 0 : i32
    %cond3A_24 = arith.cmpi ne, %convert_element_type3A, %cond3A : i32
    scf.if %cond3A_24 {
      "tpu.region"() ({
        %run_scoped3A = tpu.sem_alloc : memref<!tpu.dma_semaphore, #tpu.memory_space<semaphore_mem>>
        %dma_start3A = arith.constant 0 : i32
        %dma_start3A_59 = arith.constant 0 : i32
        %dma_start3A_60 = tpu.memref_slice %arg8[%dma_start3A, %dma_start3A_59] : memref<128x128xf32, #tpu.memory_space<vmem>> -> memref<8x128xf32, #tpu.memory_space<vmem>>
        %dma_start3A_61 = arith.constant 5120 : i32
        %dma_start3A_62 = arith.constant 0 : i32
        %dma_start3A_63 = tpu.memref_slice %arg6[%dma_start3A_61, %dma_start3A_62] : memref<5128x128xf32, #tpu.memory_space<vmem_shared>> -> memref<8x128xf32, #tpu.memory_space<vmem_shared>>
        %dma_start3A_64 = arith.constant 5120 : i32
        %dma_start3A_65 = arith.constant 0 : i32
        %dma_start3A_66 = tpu.memref_slice %arg6[%dma_start3A_64, %dma_start3A_65] : memref<5128x128xf32, #tpu.memory_space<vmem_shared>> -> memref<8x128xf32, #tpu.memory_space<vmem_shared>>
        %dma_start3A_67 = arith.constant 0 : i32
        %dma_start3A_68 = arith.constant 0 : i32
        %dma_start3A_69 = tpu.memref_slice %arg8[%dma_start3A_67, %dma_start3A_68] : memref<128x128xf32, #tpu.memory_space<vmem>> -> memref<8x128xf32, #tpu.memory_space<vmem>>
        tpu.enqueue_dma source(%dma_start3A_69 : memref<8x128xf32, #tpu.memory_space<vmem>>) target(%dma_start3A_66 : memref<8x128xf32, #tpu.memory_space<vmem_shared>>) target_semaphore(%run_scoped3A : memref<!tpu.dma_semaphore, #tpu.memory_space<semaphore_mem>>)
        %dma_wait3A = arith.constant 0 : i32
        %dma_wait3A_70 = arith.constant 0 : i32
        %dma_wait3A_71 = tpu.memref_slice %arg8[%dma_wait3A, %dma_wait3A_70] : memref<128x128xf32, #tpu.memory_space<vmem>> -> memref<8x128xf32, #tpu.memory_space<vmem>>
        %dma_wait3A_72 = arith.constant 5120 : i32
        %dma_wait3A_73 = arith.constant 0 : i32
        %dma_wait3A_74 = tpu.memref_slice %arg6[%dma_wait3A_72, %dma_wait3A_73] : memref<5128x128xf32, #tpu.memory_space<vmem_shared>> -> memref<8x128xf32, #tpu.memory_space<vmem_shared>>
        %dma_wait3A_75 = arith.constant 5120 : i32
        %dma_wait3A_76 = arith.constant 0 : i32
        %dma_wait3A_77 = tpu.memref_slice %arg6[%dma_wait3A_75, %dma_wait3A_76] : memref<5128x128xf32, #tpu.memory_space<vmem_shared>> -> memref<8x128xf32, #tpu.memory_space<vmem_shared>>
        %dma_wait3A_78 = arith.constant 0 : i32
        %dma_wait3A_79 = arith.constant 0 : i32
        %dma_wait3A_80 = tpu.memref_slice %arg8[%dma_wait3A_78, %dma_wait3A_79] : memref<128x128xf32, #tpu.memory_space<vmem>> -> memref<8x128xf32, #tpu.memory_space<vmem>>
        tpu.wait_dma2 semaphore(%run_scoped3A : memref<!tpu.dma_semaphore, #tpu.memory_space<semaphore_mem>>) src(%dma_wait3A_80 : memref<8x128xf32, #tpu.memory_space<vmem>>) dst(%dma_wait3A_77 : memref<8x128xf32, #tpu.memory_space<vmem_shared>>)
        tpu.yield
      }) : () -> ()
      "tpu.region"() ({
        %run_scoped3A = tpu.sem_alloc : memref<!tpu.dma_semaphore, #tpu.memory_space<semaphore_mem>>
        %dma_start3A = arith.constant 0 : i32
        %dma_start3A_59 = arith.constant 0 : i32
        %dma_start3A_60 = tpu.memref_slice %arg8[%dma_start3A, %dma_start3A_59] : memref<128x128xf32, #tpu.memory_space<vmem>> -> memref<8x128xf32, #tpu.memory_space<vmem>>
        %dma_start3A_61 = arith.constant 5120 : i32
        %dma_start3A_62 = arith.constant 0 : i32
        %dma_start3A_63 = tpu.memref_slice %arg7[%dma_start3A_61, %dma_start3A_62] : memref<5128x128xf32, #tpu.memory_space<vmem_shared>> -> memref<8x128xf32, #tpu.memory_space<vmem_shared>>
        %dma_start3A_64 = arith.constant 5120 : i32
        %dma_start3A_65 = arith.constant 0 : i32
        %dma_start3A_66 = tpu.memref_slice %arg7[%dma_start3A_64, %dma_start3A_65] : memref<5128x128xf32, #tpu.memory_space<vmem_shared>> -> memref<8x128xf32, #tpu.memory_space<vmem_shared>>
        %dma_start3A_67 = arith.constant 0 : i32
        %dma_start3A_68 = arith.constant 0 : i32
        %dma_start3A_69 = tpu.memref_slice %arg8[%dma_start3A_67, %dma_start3A_68] : memref<128x128xf32, #tpu.memory_space<vmem>> -> memref<8x128xf32, #tpu.memory_space<vmem>>
        tpu.enqueue_dma source(%dma_start3A_69 : memref<8x128xf32, #tpu.memory_space<vmem>>) target(%dma_start3A_66 : memref<8x128xf32, #tpu.memory_space<vmem_shared>>) target_semaphore(%run_scoped3A : memref<!tpu.dma_semaphore, #tpu.memory_space<semaphore_mem>>)
        %dma_wait3A = arith.constant 0 : i32
        %dma_wait3A_70 = arith.constant 0 : i32
        %dma_wait3A_71 = tpu.memref_slice %arg8[%dma_wait3A, %dma_wait3A_70] : memref<128x128xf32, #tpu.memory_space<vmem>> -> memref<8x128xf32, #tpu.memory_space<vmem>>
        %dma_wait3A_72 = arith.constant 5120 : i32
        %dma_wait3A_73 = arith.constant 0 : i32
        %dma_wait3A_74 = tpu.memref_slice %arg7[%dma_wait3A_72, %dma_wait3A_73] : memref<5128x128xf32, #tpu.memory_space<vmem_shared>> -> memref<8x128xf32, #tpu.memory_space<vmem_shared>>
        %dma_wait3A_75 = arith.constant 5120 : i32
        %dma_wait3A_76 = arith.constant 0 : i32
        %dma_wait3A_77 = tpu.memref_slice %arg7[%dma_wait3A_75, %dma_wait3A_76] : memref<5128x128xf32, #tpu.memory_space<vmem_shared>> -> memref<8x128xf32, #tpu.memory_space<vmem_shared>>
        %dma_wait3A_78 = arith.constant 0 : i32
        %dma_wait3A_79 = arith.constant 0 : i32
        %dma_wait3A_80 = tpu.memref_slice %arg8[%dma_wait3A_78, %dma_wait3A_79] : memref<128x128xf32, #tpu.memory_space<vmem>> -> memref<8x128xf32, #tpu.memory_space<vmem>>
        tpu.wait_dma2 semaphore(%run_scoped3A : memref<!tpu.dma_semaphore, #tpu.memory_space<semaphore_mem>>) src(%dma_wait3A_80 : memref<8x128xf32, #tpu.memory_space<vmem>>) dst(%dma_wait3A_77 : memref<8x128xf32, #tpu.memory_space<vmem_shared>>)
        tpu.yield
      }) : () -> ()
    } else {
    }
    %barrier3A = arith.constant 0 : index
    tpu.barrier barrier_id(%barrier3A)
    %mul3A = arith.constant 2 : i32
    %mul3A_25 = arith.muli %mul3A, %arg0 : i32
    %get3A = arith.index_cast %mul3A_25 : i32 to index
    %get3A_26 = arith.constant 0 : index
    %get3A_27 = tpu.vector_load %arg13[%get3A, %get3A_26] {strides = array<i32>} : memref<4x16xi32, #tpu.memory_space<vmem>>, vector<1x16xi32>,
    %get3A_28 = vector.shape_cast %get3A_27 : vector<1x16xi32> to vector<16xi32>
    %slice3A = vector.extract_strided_slice %get3A_28 {offsets = [0], sizes = [1], strides = [1]} : vector<16xi32> to vector<1xi32>
    %squeeze3A = vector.extract %slice3A[0] : i32 from vector<1xi32>
    %mul3A_29 = arith.constant 2 : i32
    %mul3A_30 = arith.muli %mul3A_29, %arg0 : i32
    %add3A = arith.constant 1 : i32
    %add3A_31 = arith.addi %mul3A_30, %add3A : i32
    %get3A_32 = arith.index_cast %add3A_31 : i32 to index
    %get3A_33 = arith.constant 0 : index
    %get3A_34 = tpu.vector_load %arg13[%get3A_32, %get3A_33] {strides = array<i32>} : memref<4x16xi32, #tpu.memory_space<vmem>>, vector<1x16xi32>,
    %get3A_35 = vector.shape_cast %get3A_34 : vector<1x16xi32> to vector<16xi32>
    %slice3A_36 = vector.extract_strided_slice %get3A_35 {offsets = [0], sizes = [1], strides = [1]} : vector<16xi32> to vector<1xi32>
    %squeeze3A_37 = vector.extract %slice3A_36[0] : i32 from vector<1xi32>
    %mul3A_38 = arith.constant 5120 : i32
    %mul3A_39 = arith.muli %arg0, %mul3A_38 : i32
    %add3A_40 = arith.addi %squeeze3A, %arg1 : i32
    %lt3A = arith.cmpi slt, %add3A_40, %squeeze3A_37 : i32
    %convert_element_type3A_41 = arith.extui %lt3A : i1 to i32
    %cond3A_42 = arith.constant 0 : i32
    %cond3A_43 = arith.cmpi ne, %convert_element_type3A_41, %cond3A_42 : i32
    scf.if %cond3A_43 {
      %mul3A_59 = arith.constant 128 : i32
      %mul3A_60 = arith.muli %add3A_40, %mul3A_59 : i32
      %multiple_of3A = tpu.assume_multiple %mul3A_60, 128 : i32
      %dma_start3A = arith.constant 0 : i32
      %dma_start3A_61 = tpu.memref_slice %arg2[%multiple_of3A, %dma_start3A] : memref<320000x128xf32, #tpu.memory_space<hbm>> -> memref<128x128xf32, #tpu.memory_space<hbm>>
      %dma_start3A_62 = arith.constant 0 : i32
      %dma_start3A_63 = tpu.memref_slice %arg2[%multiple_of3A, %dma_start3A_62] : memref<320000x128xf32, #tpu.memory_space<hbm>> -> memref<128x128xf32, #tpu.memory_space<hbm>>
      tpu.enqueue_dma source(%dma_start3A_63 : memref<128x128xf32, #tpu.memory_space<hbm>>) target(%arg8 : memref<128x128xf32, #tpu.memory_space<vmem>>) target_semaphore(%arg14 : memref<!tpu.dma_semaphore, #tpu.memory_space<semaphore_mem>>)
    } else {
    }
    %scan3A_44 = arith.constant 0 : i32
    %scan3A_45 = arith.constant 0 : i32
    %scan3A_46 = arith.constant 79 : i32
    %scan3A_47 = arith.addi %scan3A_45, %scan3A_46 : i32
    %scan3A_48 = arith.constant 1 : i32
    %scan3A_49 = scf.for %scan3A_59 = %scan3A_45 to %scan3A_47 step %scan3A_48 iter_args(%scan3A_60 = %scan3A_44) -> (i32)  : i32 {
      %add3A_61 = arith.addi %squeeze3A, %arg1 : i32
      %mul3A_62 = arith.constant 2 : i32
      %mul3A_63 = arith.muli %scan3A_59, %mul3A_62 : i32
      %add3A_64 = arith.constant 0 : i32
      %add3A_65 = arith.addi %mul3A_63, %add3A_64 : i32
      %mul3A_66 = arith.constant 16 : i32
      %mul3A_67 = arith.muli %add3A_65, %mul3A_66 : i32
      %add3A_68 = arith.addi %add3A_61, %mul3A_67 : i32
      %add3A_69 = arith.constant 16 : i32
      %add3A_70 = arith.addi %add3A_68, %add3A_69 : i32
      %lt3A_71 = arith.cmpi slt, %add3A_70, %squeeze3A_37 : i32
      %convert_element_type3A_72 = arith.extui %lt3A_71 : i1 to i32
      %cond3A_73 = arith.constant 0 : i32
      %cond3A_74 = arith.cmpi ne, %convert_element_type3A_72, %cond3A_73 : i32
      scf.if %cond3A_74 {
        %mul3A_98 = arith.constant 128 : i32
        %mul3A_99 = arith.muli %add3A_70, %mul3A_98 : i32
        %multiple_of3A = tpu.assume_multiple %mul3A_99, 128 : i32
        %dma_start3A = arith.constant 0 : i32
        %dma_start3A_100 = tpu.memref_slice %arg2[%multiple_of3A, %dma_start3A] : memref<320000x128xf32, #tpu.memory_space<hbm>> -> memref<128x128xf32, #tpu.memory_space<hbm>>
        %dma_start3A_101 = arith.constant 0 : i32
        %dma_start3A_102 = tpu.memref_slice %arg2[%multiple_of3A, %dma_start3A_101] : memref<320000x128xf32, #tpu.memory_space<hbm>> -> memref<128x128xf32, #tpu.memory_space<hbm>>
        tpu.enqueue_dma source(%dma_start3A_102 : memref<128x128xf32, #tpu.memory_space<hbm>>) target(%arg9 : memref<128x128xf32, #tpu.memory_space<vmem>>) target_semaphore(%arg15 : memref<!tpu.dma_semaphore, #tpu.memory_space<semaphore_mem>>)
      } else {
      }
      %lt3A_75 = arith.cmpi slt, %add3A_68, %squeeze3A_37 : i32
      %convert_element_type3A_76 = arith.extui %lt3A_75 : i1 to i32
      %cond3A_77 = arith.constant 0 : i32
      %cond3A_78 = arith.cmpi ne, %convert_element_type3A_76, %cond3A_77 : i32
      scf.if %cond3A_78 {
        %mul3A_98 = arith.constant 128 : i32
        %mul3A_99 = arith.muli %add3A_68, %mul3A_98 : i32
        %multiple_of3A = tpu.assume_multiple %mul3A_99, 128 : i32
        "tpu.region"() ({
          %run_scoped3A = tpu.sem_alloc : memref<!tpu.dma_semaphore, #tpu.memory_space<semaphore_mem>>
          %dma_start3A_327 = tpu.memref_slice %arg3[%multiple_of3A] : memref<320000xi32, #tpu.memory_space<hbm>> -> memref<128xi32, #tpu.memory_space<hbm>>
          %dma_start3A_328 = tpu.memref_slice %arg3[%multiple_of3A] : memref<320000xi32, #tpu.memory_space<hbm>> -> memref<128xi32, #tpu.memory_space<hbm>>
          tpu.enqueue_dma source(%dma_start3A_328 : memref<128xi32, #tpu.memory_space<hbm>>) target(%arg11 : memref<128xi32, #tpu.memory_space<vmem>>) target_semaphore(%run_scoped3A : memref<!tpu.dma_semaphore, #tpu.memory_space<semaphore_mem>>)
          %dma_wait3A_329 = tpu.memref_slice %arg3[%multiple_of3A] : memref<320000xi32, #tpu.memory_space<hbm>> -> memref<128xi32, #tpu.memory_space<hbm>>
          %dma_wait3A_330 = tpu.memref_slice %arg3[%multiple_of3A] : memref<320000xi32, #tpu.memory_space<hbm>> -> memref<128xi32, #tpu.memory_space<hbm>>
          tpu.wait_dma2 semaphore(%run_scoped3A : memref<!tpu.dma_semaphore, #tpu.memory_space<semaphore_mem>>) src(%dma_wait3A_330 : memref<128xi32, #tpu.memory_space<hbm>>) dst(%arg11 : memref<128xi32, #tpu.memory_space<vmem>>)
          tpu.yield
        }) : () -> ()
        %get3A_100 = arith.constant 0 : index
        %get3A_101 = tpu.vector_load %arg11[%get3A_100] {strides = array<i32>} : memref<128xi32, #tpu.memory_space<vmem>>, vector<16xi32>,
        %get3A_102 = vector.shape_cast %get3A_101 : vector<16xi32> to vector<16xi32>
        %sub3A = vector.broadcast %mul3A_39 : i32 to vector<16xi32>
        %sub3A_103 = arith.subi %get3A_102, %sub3A : vector<16xi32>
        %ge3A = arith.constant 0 : i32
        %ge3A_104 = vector.broadcast %ge3A : i32 to vector<16xi32>
        %ge3A_105 = arith.cmpi sge, %sub3A_103, %ge3A_104 : vector<16xi32>
        %lt3A_106 = arith.constant 5120 : i32
        %lt3A_107 = vector.broadcast %lt3A_106 : i32 to vector<16xi32>
        %lt3A_108 = arith.cmpi slt, %sub3A_103, %lt3A_107 : vector<16xi32>
        %and3A = arith.andi %ge3A_105, %lt3A_108 : vector<16xi1>
        %jit3A = arith.constant 5120 : i32
        %broadcast_in_dim3A_109 = vector.broadcast %jit3A : i32 to vector<16xi32>
        %select_n3A = arith.select %and3A, %sub3A_103, %broadcast_in_dim3A_109 : vector<16xi1>, vector<16xi32>
        %swap3A = arith.constant 0 : index
        %swap3A_110 = tpu.vector_load %arg11[%swap3A] {strides = array<i32>} : memref<128xi32, #tpu.memory_space<vmem>>, vector<16xi32>,
        %swap3A_111 = vector.shape_cast %swap3A_110 : vector<16xi32> to vector<16xi32>
        %swap3A_112 = vector.shape_cast %select_n3A : vector<16xi32> to vector<16xi32>
        tpu.vector_store %arg11[%swap3A], %swap3A_112 {strides = array<i32>} : memref<128xi32, #tpu.memory_space<vmem>>, vector<16xi32>,
        %swap3A_113 = arith.constant 0 : i32
        %swap3A_114 = arith.index_cast %swap3A_113 : i32 to index
        %swap3A_115 = arith.constant 0 : index
        %swap3A_116 = tpu.vector_load %arg12[%swap3A_114, %swap3A_115] {strides = array<i32>} : memref<2x64xi32, #tpu.memory_space<vmem>>, vector<1x16xi32>,
        %swap3A_117 = vector.shape_cast %swap3A_116 : vector<1x16xi32> to vector<16xi32>
        %swap3A_118 = vector.shape_cast %select_n3A : vector<16xi32> to vector<1x16xi32>
        tpu.vector_store %arg12[%swap3A_114, %swap3A_115], %swap3A_118 {strides = array<i32>} : memref<2x64xi32, #tpu.memory_space<vmem>>, vector<1x16xi32>,
        %get3A_119 = arith.constant 16 : index
        %get3A_120 = tpu.vector_load %arg11[%get3A_119] {strides = array<i32>} : memref<128xi32, #tpu.memory_space<vmem>>, vector<16xi32>,
        %get3A_121 = vector.shape_cast %get3A_120 : vector<16xi32> to vector<16xi32>
        %sub3A_122 = vector.broadcast %mul3A_39 : i32 to vector<16xi32>
        %sub3A_123 = arith.subi %get3A_121, %sub3A_122 : vector<16xi32>
        %ge3A_124 = arith.constant 0 : i32
        %ge3A_125 = vector.broadcast %ge3A_124 : i32 to vector<16xi32>
        %ge3A_126 = arith.cmpi sge, %sub3A_123, %ge3A_125 : vector<16xi32>
        %lt3A_127 = arith.constant 5120 : i32
        %lt3A_128 = vector.broadcast %lt3A_127 : i32 to vector<16xi32>
        %lt3A_129 = arith.cmpi slt, %sub3A_123, %lt3A_128 : vector<16xi32>
        %and3A_130 = arith.andi %ge3A_126, %lt3A_129 : vector<16xi1>
        %jit3A_131 = arith.constant 5120 : i32
        %broadcast_in_dim3A_132 = vector.broadcast %jit3A_131 : i32 to vector<16xi32>
        %select_n3A_133 = arith.select %and3A_130, %sub3A_123, %broadcast_in_dim3A_132 : vector<16xi1>, vector<16xi32>
        %swap3A_134 = arith.constant 16 : index
        %swap3A_135 = tpu.vector_load %arg11[%swap3A_134] {strides = array<i32>} : memref<128xi32, #tpu.memory_space<vmem>>, vector<16xi32>,
        %swap3A_136 = vector.shape_cast %swap3A_135 : vector<16xi32> to vector<16xi32>
        %swap3A_137 = vector.shape_cast %select_n3A_133 : vector<16xi32> to vector<16xi32>
        tpu.vector_store %arg11[%swap3A_134], %swap3A_137 {strides = array<i32>} : memref<128xi32, #tpu.memory_space<vmem>>, vector<16xi32>,
        %swap3A_138 = arith.constant 0 : i32
        %swap3A_139 = arith.index_cast %swap3A_138 : i32 to index
        %swap3A_140 = arith.constant 16 : index
        %swap3A_141 = tpu.vector_load %arg12[%swap3A_139, %swap3A_140] {strides = array<i32>} : memref<2x64xi32, #tpu.memory_space<vmem>>, vector<1x16xi32>,
        %swap3A_142 = vector.shape_cast %swap3A_141 : vector<1x16xi32> to vector<16xi32>
        %swap3A_143 = vector.shape_cast %select_n3A_133 : vector<16xi32> to vector<1x16xi32>
        tpu.vector_store %arg12[%swap3A_139, %swap3A_140], %swap3A_143 {strides = array<i32>} : memref<2x64xi32, #tpu.memory_space<vmem>>, vector<1x16xi32>,
        %get3A_144 = arith.constant 32 : index
        %get3A_145 = tpu.vector_load %arg11[%get3A_144] {strides = array<i32>} : memref<128xi32, #tpu.memory_space<vmem>>, vector<16xi32>,
        %get3A_146 = vector.shape_cast %get3A_145 : vector<16xi32> to vector<16xi32>
        %sub3A_147 = vector.broadcast %mul3A_39 : i32 to vector<16xi32>
        %sub3A_148 = arith.subi %get3A_146, %sub3A_147 : vector<16xi32>
        %ge3A_149 = arith.constant 0 : i32
        %ge3A_150 = vector.broadcast %ge3A_149 : i32 to vector<16xi32>
        %ge3A_151 = arith.cmpi sge, %sub3A_148, %ge3A_150 : vector<16xi32>
        %lt3A_152 = arith.constant 5120 : i32
        %lt3A_153 = vector.broadcast %lt3A_152 : i32 to vector<16xi32>
        %lt3A_154 = arith.cmpi slt, %sub3A_148, %lt3A_153 : vector<16xi32>
        %and3A_155 = arith.andi %ge3A_151, %lt3A_154 : vector<16xi1>
        %jit3A_156 = arith.constant 5120 : i32
        %broadcast_in_dim3A_157 = vector.broadcast %jit3A_156 : i32 to vector<16xi32>
        %select_n3A_158 = arith.select %and3A_155, %sub3A_148, %broadcast_in_dim3A_157 : vector<16xi1>, vector<16xi32>
        %swap3A_159 = arith.constant 32 : index
        %swap3A_160 = tpu.vector_load %arg11[%swap3A_159] {strides = array<i32>} : memref<128xi32, #tpu.memory_space<vmem>>, vector<16xi32>,
        %swap3A_161 = vector.shape_cast %swap3A_160 : vector<16xi32> to vector<16xi32>
        %swap3A_162 = vector.shape_cast %select_n3A_158 : vector<16xi32> to vector<16xi32>
        tpu.vector_store %arg11[%swap3A_159], %swap3A_162 {strides = array<i32>} : memref<128xi32, #tpu.memory_space<vmem>>, vector<16xi32>,
        %swap3A_163 = arith.constant 0 : i32
        %swap3A_164 = arith.index_cast %swap3A_163 : i32 to index
        %swap3A_165 = arith.constant 32 : index
        %swap3A_166 = tpu.vector_load %arg12[%swap3A_164, %swap3A_165] {strides = array<i32>} : memref<2x64xi32, #tpu.memory_space<vmem>>, vector<1x16xi32>,
        %swap3A_167 = vector.shape_cast %swap3A_166 : vector<1x16xi32> to vector<16xi32>
        %swap3A_168 = vector.shape_cast %select_n3A_158 : vector<16xi32> to vector<1x16xi32>
        tpu.vector_store %arg12[%swap3A_164, %swap3A_165], %swap3A_168 {strides = array<i32>} : memref<2x64xi32, #tpu.memory_space<vmem>>, vector<1x16xi32>,
        %get3A_169 = arith.constant 48 : index
        %get3A_170 = tpu.vector_load %arg11[%get3A_169] {strides = array<i32>} : memref<128xi32, #tpu.memory_space<vmem>>, vector<16xi32>,
        %get3A_171 = vector.shape_cast %get3A_170 : vector<16xi32> to vector<16xi32>
        %sub3A_172 = vector.broadcast %mul3A_39 : i32 to vector<16xi32>
        %sub3A_173 = arith.subi %get3A_171, %sub3A_172 : vector<16xi32>
        %ge3A_174 = arith.constant 0 : i32
        %ge3A_175 = vector.broadcast %ge3A_174 : i32 to vector<16xi32>
        %ge3A_176 = arith.cmpi sge, %sub3A_173, %ge3A_175 : vector<16xi32>
        %lt3A_177 = arith.constant 5120 : i32
        %lt3A_178 = vector.broadcast %lt3A_177 : i32 to vector<16xi32>
        %lt3A_179 = arith.cmpi slt, %sub3A_173, %lt3A_178 : vector<16xi32>
        %and3A_180 = arith.andi %ge3A_176, %lt3A_179 : vector<16xi1>
        %jit3A_181 = arith.constant 5120 : i32
        %broadcast_in_dim3A_182 = vector.broadcast %jit3A_181 : i32 to vector<16xi32>
        %select_n3A_183 = arith.select %and3A_180, %sub3A_173, %broadcast_in_dim3A_182 : vector<16xi1>, vector<16xi32>
        %swap3A_184 = arith.constant 48 : index
        %swap3A_185 = tpu.vector_load %arg11[%swap3A_184] {strides = array<i32>} : memref<128xi32, #tpu.memory_space<vmem>>, vector<16xi32>,
        %swap3A_186 = vector.shape_cast %swap3A_185 : vector<16xi32> to vector<16xi32>
        %swap3A_187 = vector.shape_cast %select_n3A_183 : vector<16xi32> to vector<16xi32>
        tpu.vector_store %arg11[%swap3A_184], %swap3A_187 {strides = array<i32>} : memref<128xi32, #tpu.memory_space<vmem>>, vector<16xi32>,
        %swap3A_188 = arith.constant 0 : i32
        %swap3A_189 = arith.index_cast %swap3A_188 : i32 to index
        %swap3A_190 = arith.constant 48 : index
        %swap3A_191 = tpu.vector_load %arg12[%swap3A_189, %swap3A_190] {strides = array<i32>} : memref<2x64xi32, #tpu.memory_space<vmem>>, vector<1x16xi32>,
        %swap3A_192 = vector.shape_cast %swap3A_191 : vector<1x16xi32> to vector<16xi32>
        %swap3A_193 = vector.shape_cast %select_n3A_183 : vector<16xi32> to vector<1x16xi32>
        tpu.vector_store %arg12[%swap3A_189, %swap3A_190], %swap3A_193 {strides = array<i32>} : memref<2x64xi32, #tpu.memory_space<vmem>>, vector<1x16xi32>,
        %get3A_194 = arith.constant 64 : index
        %get3A_195 = tpu.vector_load %arg11[%get3A_194] {strides = array<i32>} : memref<128xi32, #tpu.memory_space<vmem>>, vector<16xi32>,
        %get3A_196 = vector.shape_cast %get3A_195 : vector<16xi32> to vector<16xi32>
        %sub3A_197 = vector.broadcast %mul3A_39 : i32 to vector<16xi32>
        %sub3A_198 = arith.subi %get3A_196, %sub3A_197 : vector<16xi32>
        %ge3A_199 = arith.constant 0 : i32
        %ge3A_200 = vector.broadcast %ge3A_199 : i32 to vector<16xi32>
        %ge3A_201 = arith.cmpi sge, %sub3A_198, %ge3A_200 : vector<16xi32>
        %lt3A_202 = arith.constant 5120 : i32
        %lt3A_203 = vector.broadcast %lt3A_202 : i32 to vector<16xi32>
        %lt3A_204 = arith.cmpi slt, %sub3A_198, %lt3A_203 : vector<16xi32>
        %and3A_205 = arith.andi %ge3A_201, %lt3A_204 : vector<16xi1>
        %jit3A_206 = arith.constant 5120 : i32
        %broadcast_in_dim3A_207 = vector.broadcast %jit3A_206 : i32 to vector<16xi32>
        %select_n3A_208 = arith.select %and3A_205, %sub3A_198, %broadcast_in_dim3A_207 : vector<16xi1>, vector<16xi32>
        %swap3A_209 = arith.constant 64 : index
        %swap3A_210 = tpu.vector_load %arg11[%swap3A_209] {strides = array<i32>} : memref<128xi32, #tpu.memory_space<vmem>>, vector<16xi32>,
        %swap3A_211 = vector.shape_cast %swap3A_210 : vector<16xi32> to vector<16xi32>
        %swap3A_212 = vector.shape_cast %select_n3A_208 : vector<16xi32> to vector<16xi32>
        tpu.vector_store %arg11[%swap3A_209], %swap3A_212 {strides = array<i32>} : memref<128xi32, #tpu.memory_space<vmem>>, vector<16xi32>,
        %swap3A_213 = arith.constant 1 : i32
        %swap3A_214 = arith.index_cast %swap3A_213 : i32 to index
        %swap3A_215 = arith.constant 0 : index
        %swap3A_216 = tpu.vector_load %arg12[%swap3A_214, %swap3A_215] {strides = array<i32>} : memref<2x64xi32, #tpu.memory_space<vmem>>, vector<1x16xi32>,
        %swap3A_217 = vector.shape_cast %swap3A_216 : vector<1x16xi32> to vector<16xi32>
        %swap3A_218 = vector.shape_cast %select_n3A_208 : vector<16xi32> to vector<1x16xi32>
        tpu.vector_store %arg12[%swap3A_214, %swap3A_215], %swap3A_218 {strides = array<i32>} : memref<2x64xi32, #tpu.memory_space<vmem>>, vector<1x16xi32>,
        %get3A_219 = arith.constant 80 : index
        %get3A_220 = tpu.vector_load %arg11[%get3A_219] {strides = array<i32>} : memref<128xi32, #tpu.memory_space<vmem>>, vector<16xi32>,
        %get3A_221 = vector.shape_cast %get3A_220 : vector<16xi32> to vector<16xi32>
        %sub3A_222 = vector.broadcast %mul3A_39 : i32 to vector<16xi32>
        %sub3A_223 = arith.subi %get3A_221, %sub3A_222 : vector<16xi32>
        %ge3A_224 = arith.constant 0 : i32
        %ge3A_225 = vector.broadcast %ge3A_224 : i32 to vector<16xi32>
        %ge3A_226 = arith.cmpi sge, %sub3A_223, %ge3A_225 : vector<16xi32>
        %lt3A_227 = arith.constant 5120 : i32
        %lt3A_228 = vector.broadcast %lt3A_227 : i32 to vector<16xi32>
        %lt3A_229 = arith.cmpi slt, %sub3A_223, %lt3A_228 : vector<16xi32>
        %and3A_230 = arith.andi %ge3A_226, %lt3A_229 : vector<16xi1>
        %jit3A_231 = arith.constant 5120 : i32
        %broadcast_in_dim3A_232 = vector.broadcast %jit3A_231 : i32 to vector<16xi32>
        %select_n3A_233 = arith.select %and3A_230, %sub3A_223, %broadcast_in_dim3A_232 : vector<16xi1>, vector<16xi32>
        %swap3A_234 = arith.constant 80 : index
        %swap3A_235 = tpu.vector_load %arg11[%swap3A_234] {strides = array<i32>} : memref<128xi32, #tpu.memory_space<vmem>>, vector<16xi32>,
        %swap3A_236 = vector.shape_cast %swap3A_235 : vector<16xi32> to vector<16xi32>
        %swap3A_237 = vector.shape_cast %select_n3A_233 : vector<16xi32> to vector<16xi32>
        tpu.vector_store %arg11[%swap3A_234], %swap3A_237 {strides = array<i32>} : memref<128xi32, #tpu.memory_space<vmem>>, vector<16xi32>,
        %swap3A_238 = arith.constant 1 : i32
        %swap3A_239 = arith.index_cast %swap3A_238 : i32 to index
        %swap3A_240 = arith.constant 16 : index
        %swap3A_241 = tpu.vector_load %arg12[%swap3A_239, %swap3A_240] {strides = array<i32>} : memref<2x64xi32, #tpu.memory_space<vmem>>, vector<1x16xi32>,
        %swap3A_242 = vector.shape_cast %swap3A_241 : vector<1x16xi32> to vector<16xi32>
        %swap3A_243 = vector.shape_cast %select_n3A_233 : vector<16xi32> to vector<1x16xi32>
        tpu.vector_store %arg12[%swap3A_239, %swap3A_240], %swap3A_243 {strides = array<i32>} : memref<2x64xi32, #tpu.memory_space<vmem>>, vector<1x16xi32>,
        %get3A_244 = arith.constant 96 : index
        %get3A_245 = tpu.vector_load %arg11[%get3A_244] {strides = array<i32>} : memref<128xi32, #tpu.memory_space<vmem>>, vector<16xi32>,
        %get3A_246 = vector.shape_cast %get3A_245 : vector<16xi32> to vector<16xi32>
        %sub3A_247 = vector.broadcast %mul3A_39 : i32 to vector<16xi32>
        %sub3A_248 = arith.subi %get3A_246, %sub3A_247 : vector<16xi32>
        %ge3A_249 = arith.constant 0 : i32
        %ge3A_250 = vector.broadcast %ge3A_249 : i32 to vector<16xi32>
        %ge3A_251 = arith.cmpi sge, %sub3A_248, %ge3A_250 : vector<16xi32>
        %lt3A_252 = arith.constant 5120 : i32
        %lt3A_253 = vector.broadcast %lt3A_252 : i32 to vector<16xi32>
        %lt3A_254 = arith.cmpi slt, %sub3A_248, %lt3A_253 : vector<16xi32>
        %and3A_255 = arith.andi %ge3A_251, %lt3A_254 : vector<16xi1>
        %jit3A_256 = arith.constant 5120 : i32
        %broadcast_in_dim3A_257 = vector.broadcast %jit3A_256 : i32 to vector<16xi32>
        %select_n3A_258 = arith.select %and3A_255, %sub3A_248, %broadcast_in_dim3A_257 : vector<16xi1>, vector<16xi32>
        %swap3A_259 = arith.constant 96 : index
        %swap3A_260 = tpu.vector_load %arg11[%swap3A_259] {strides = array<i32>} : memref<128xi32, #tpu.memory_space<vmem>>, vector<16xi32>,
        %swap3A_261 = vector.shape_cast %swap3A_260 : vector<16xi32> to vector<16xi32>
        %swap3A_262 = vector.shape_cast %select_n3A_258 : vector<16xi32> to vector<16xi32>
        tpu.vector_store %arg11[%swap3A_259], %swap3A_262 {strides = array<i32>} : memref<128xi32, #tpu.memory_space<vmem>>, vector<16xi32>,
        %swap3A_263 = arith.constant 1 : i32
        %swap3A_264 = arith.index_cast %swap3A_263 : i32 to index
        %swap3A_265 = arith.constant 32 : index
        %swap3A_266 = tpu.vector_load %arg12[%swap3A_264, %swap3A_265] {strides = array<i32>} : memref<2x64xi32, #tpu.memory_space<vmem>>, vector<1x16xi32>,
        %swap3A_267 = vector.shape_cast %swap3A_266 : vector<1x16xi32> to vector<16xi32>
        %swap3A_268 = vector.shape_cast %select_n3A_258 : vector<16xi32> to vector<1x16xi32>
        tpu.vector_store %arg12[%swap3A_264, %swap3A_265], %swap3A_268 {strides = array<i32>} : memref<2x64xi32, #tpu.memory_space<vmem>>, vector<1x16xi32>,
        %get3A_269 = arith.constant 112 : index
        %get3A_270 = tpu.vector_load %arg11[%get3A_269] {strides = array<i32>} : memref<128xi32, #tpu.memory_space<vmem>>, vector<16xi32>,
        %get3A_271 = vector.shape_cast %get3A_270 : vector<16xi32> to vector<16xi32>
        %sub3A_272 = vector.broadcast %mul3A_39 : i32 to vector<16xi32>
        %sub3A_273 = arith.subi %get3A_271, %sub3A_272 : vector<16xi32>
        %ge3A_274 = arith.constant 0 : i32
        %ge3A_275 = vector.broadcast %ge3A_274 : i32 to vector<16xi32>
        %ge3A_276 = arith.cmpi sge, %sub3A_273, %ge3A_275 : vector<16xi32>
        %lt3A_277 = arith.constant 5120 : i32
        %lt3A_278 = vector.broadcast %lt3A_277 : i32 to vector<16xi32>
        %lt3A_279 = arith.cmpi slt, %sub3A_273, %lt3A_278 : vector<16xi32>
        %and3A_280 = arith.andi %ge3A_276, %lt3A_279 : vector<16xi1>
        %jit3A_281 = arith.constant 5120 : i32
        %broadcast_in_dim3A_282 = vector.broadcast %jit3A_281 : i32 to vector<16xi32>
        %select_n3A_283 = arith.select %and3A_280, %sub3A_273, %broadcast_in_dim3A_282 : vector<16xi1>, vector<16xi32>
        %swap3A_284 = arith.constant 112 : index
        %swap3A_285 = tpu.vector_load %arg11[%swap3A_284] {strides = array<i32>} : memref<128xi32, #tpu.memory_space<vmem>>, vector<16xi32>,
        %swap3A_286 = vector.shape_cast %swap3A_285 : vector<16xi32> to vector<16xi32>
        %swap3A_287 = vector.shape_cast %select_n3A_283 : vector<16xi32> to vector<16xi32>
        tpu.vector_store %arg11[%swap3A_284], %swap3A_287 {strides = array<i32>} : memref<128xi32, #tpu.memory_space<vmem>>, vector<16xi32>,
        %swap3A_288 = arith.constant 1 : i32
        %swap3A_289 = arith.index_cast %swap3A_288 : i32 to index
        %swap3A_290 = arith.constant 48 : index
        %swap3A_291 = tpu.vector_load %arg12[%swap3A_289, %swap3A_290] {strides = array<i32>} : memref<2x64xi32, #tpu.memory_space<vmem>>, vector<1x16xi32>,
        %swap3A_292 = vector.shape_cast %swap3A_291 : vector<1x16xi32> to vector<16xi32>
        %swap3A_293 = vector.shape_cast %select_n3A_283 : vector<16xi32> to vector<1x16xi32>
        tpu.vector_store %arg12[%swap3A_289, %swap3A_290], %swap3A_293 {strides = array<i32>} : memref<2x64xi32, #tpu.memory_space<vmem>>, vector<1x16xi32>,
        %mul3A_294 = arith.constant 128 : i32
        %mul3A_295 = arith.muli %add3A_68, %mul3A_294 : i32
        %multiple_of3A_296 = tpu.assume_multiple %mul3A_295, 128 : i32
        %dma_wait3A = arith.constant 0 : i32
        %dma_wait3A_297 = tpu.memref_slice %arg2[%multiple_of3A_296, %dma_wait3A] : memref<320000x128xf32, #tpu.memory_space<hbm>> -> memref<128x128xf32, #tpu.memory_space<hbm>>
        %dma_wait3A_298 = arith.constant 0 : i32
        %dma_wait3A_299 = tpu.memref_slice %arg2[%multiple_of3A_296, %dma_wait3A_298] : memref<320000x128xf32, #tpu.memory_space<hbm>> -> memref<128x128xf32, #tpu.memory_space<hbm>>
        tpu.wait_dma2 semaphore(%arg14 : memref<!tpu.dma_semaphore, #tpu.memory_space<semaphore_mem>>) src(%dma_wait3A_299 : memref<128x128xf32, #tpu.memory_space<hbm>>) dst(%arg8 : memref<128x128xf32, #tpu.memory_space<vmem>>)
        %dma_start3A = arith.constant 0 : i32
        %dma_start3A_300 = arith.constant 0 : i32
        %dma_start3A_301 = tpu.memref_slice %arg12[%dma_start3A, %dma_start3A_300] : memref<2x64xi32, #tpu.memory_space<vmem>> -> memref<1x64xi32, #tpu.memory_space<vmem>>
        %dma_start3A_302 = tpu.memref_squeeze %dma_start3A_301 : memref<1x64xi32, #tpu.memory_space<vmem>> -> memref<64xi32, #tpu.memory_space<vmem>>
        %dma_start3A_303 = arith.constant 0 : i32
        %dma_start3A_304 = arith.constant 0 : i32
        %dma_start3A_305 = tpu.memref_slice %arg7[%dma_start3A_303, %dma_start3A_304] : memref<5128x128xf32, #tpu.memory_space<vmem_shared>> -> memref<5128x128xf32, #tpu.memory_space<vmem_shared>>
        tpu.enqueue_indirect_dma source(%arg10 : memref<64x128xf32, #tpu.memory_space<vmem>>) target(%dma_start3A_305 : memref<5128x128xf32, #tpu.memory_space<vmem_shared>>) offsets(%dma_start3A_302 : memref<64xi32, #tpu.memory_space<vmem>>) semaphore(%arg16 : memref<!tpu.dma_semaphore, #tpu.memory_space<semaphore_mem>>) {add = true}
        %dma_start3A_306 = arith.constant 1 : i32
        %dma_start3A_307 = arith.constant 0 : i32
        %dma_start3A_308 = tpu.memref_slice %arg12[%dma_start3A_306, %dma_start3A_307] : memref<2x64xi32, #tpu.memory_space<vmem>> -> memref<1x64xi32, #tpu.memory_space<vmem>>
        %dma_start3A_309 = tpu.memref_squeeze %dma_start3A_308 : memref<1x64xi32, #tpu.memory_space<vmem>> -> memref<64xi32, #tpu.memory_space<vmem>>
        %dma_start3A_310 = arith.constant 0 : i32
        %dma_start3A_311 = arith.constant 0 : i32
        %dma_start3A_312 = tpu.memref_slice %arg7[%dma_start3A_310, %dma_start3A_311] : memref<5128x128xf32, #tpu.memory_space<vmem_shared>> -> memref<5128x128xf32, #tpu.memory_space<vmem_shared>>
        tpu.enqueue_indirect_dma source(%arg10 : memref<64x128xf32, #tpu.memory_space<vmem>>) target(%dma_start3A_312 : memref<5128x128xf32, #tpu.memory_space<vmem_shared>>) offsets(%dma_start3A_309 : memref<64xi32, #tpu.memory_space<vmem>>) semaphore(%arg16 : memref<!tpu.dma_semaphore, #tpu.memory_space<semaphore_mem>>) {add = true}
        "tpu.region"() ({
          %run_scoped3A = tpu.sem_alloc : memref<!tpu.dma_semaphore, #tpu.memory_space<semaphore_mem>>
          %dma_start3A_327 = arith.constant 0 : i32
          %dma_start3A_328 = arith.constant 0 : i32
          %dma_start3A_329 = tpu.memref_slice %arg6[%dma_start3A_327, %dma_start3A_328] : memref<5128x128xf32, #tpu.memory_space<vmem_shared>> -> memref<5128x128xf32, #tpu.memory_space<vmem_shared>>
          tpu.enqueue_indirect_dma source(%arg8 : memref<128x128xf32, #tpu.memory_space<vmem>>) target(%dma_start3A_329 : memref<5128x128xf32, #tpu.memory_space<vmem_shared>>) offsets(%arg11 : memref<128xi32, #tpu.memory_space<vmem>>) semaphore(%run_scoped3A : memref<!tpu.dma_semaphore, #tpu.memory_space<semaphore_mem>>) {add = true}
          %dma_wait3A_330 = arith.constant 0 : i32
          %dma_wait3A_331 = arith.constant 0 : i32
          %dma_wait3A_332 = tpu.memref_slice %arg6[%dma_wait3A_330, %dma_wait3A_331] : memref<5128x128xf32, #tpu.memory_space<vmem_shared>> -> memref<5128x128xf32, #tpu.memory_space<vmem_shared>>
          tpu.wait_indirect_dma semaphore(%run_scoped3A : memref<!tpu.dma_semaphore, #tpu.memory_space<semaphore_mem>>) src(%arg8 : memref<128x128xf32, #tpu.memory_space<vmem>>) dst(%dma_wait3A_332 : memref<5128x128xf32, #tpu.memory_space<vmem_shared>>)
          tpu.yield
        }) : () -> ()
        %dma_wait3A_313 = arith.constant 0 : i32
        %dma_wait3A_314 = arith.constant 0 : i32
        %dma_wait3A_315 = tpu.memref_slice %arg12[%dma_wait3A_313, %dma_wait3A_314] : memref<2x64xi32, #tpu.memory_space<vmem>> -> memref<1x64xi32, #tpu.memory_space<vmem>>
        %dma_wait3A_316 = tpu.memref_squeeze %dma_wait3A_315 : memref<1x64xi32, #tpu.memory_space<vmem>> -> memref<64xi32, #tpu.memory_space<vmem>>
        %dma_wait3A_317 = arith.constant 0 : i32
        %dma_wait3A_318 = arith.constant 0 : i32
        %dma_wait3A_319 = tpu.memref_slice %arg7[%dma_wait3A_317, %dma_wait3A_318] : memref<5128x128xf32, #tpu.memory_space<vmem_shared>> -> memref<5128x128xf32, #tpu.memory_space<vmem_shared>>
        tpu.wait_indirect_dma semaphore(%arg16 : memref<!tpu.dma_semaphore, #tpu.memory_space<semaphore_mem>>) src(%arg10 : memref<64x128xf32, #tpu.memory_space<vmem>>) dst(%dma_wait3A_319 : memref<5128x128xf32, #tpu.memory_space<vmem_shared>>)
        %dma_wait3A_320 = arith.constant 1 : i32
        %dma_wait3A_321 = arith.constant 0 : i32
        %dma_wait3A_322 = tpu.memref_slice %arg12[%dma_wait3A_320, %dma_wait3A_321] : memref<2x64xi32, #tpu.memory_space<vmem>> -> memref<1x64xi32, #tpu.memory_space<vmem>>
        %dma_wait3A_323 = tpu.memref_squeeze %dma_wait3A_322 : memref<1x64xi32, #tpu.memory_space<vmem>> -> memref<64xi32, #tpu.memory_space<vmem>>
        %dma_wait3A_324 = arith.constant 0 : i32
        %dma_wait3A_325 = arith.constant 0 : i32
        %dma_wait3A_326 = tpu.memref_slice %arg7[%dma_wait3A_324, %dma_wait3A_325] : memref<5128x128xf32, #tpu.memory_space<vmem_shared>> -> memref<5128x128xf32, #tpu.memory_space<vmem_shared>>
        tpu.wait_indirect_dma semaphore(%arg16 : memref<!tpu.dma_semaphore, #tpu.memory_space<semaphore_mem>>) src(%arg10 : memref<64x128xf32, #tpu.memory_space<vmem>>) dst(%dma_wait3A_326 : memref<5128x128xf32, #tpu.memory_space<vmem_shared>>)
      } else {
      }
      %add3A_79 = arith.addi %squeeze3A, %arg1 : i32
      %mul3A_80 = arith.constant 2 : i32
      %mul3A_81 = arith.muli %scan3A_59, %mul3A_80 : i32
      %add3A_82 = arith.constant 1 : i32
      %add3A_83 = arith.addi %mul3A_81, %add3A_82 : i32
      %mul3A_84 = arith.constant 16 : i32
      %mul3A_85 = arith.muli %add3A_83, %mul3A_84 : i32
      %add3A_86 = arith.addi %add3A_79, %mul3A_85 : i32
      %add3A_87 = arith.constant 16 : i32
      %add3A_88 = arith.addi %add3A_86, %add3A_87 : i32
      %lt3A_89 = arith.cmpi slt, %add3A_88, %squeeze3A_37 : i32
      %convert_element_type3A_90 = arith.extui %lt3A_89 : i1 to i32
      %cond3A_91 = arith.constant 0 : i32
      %cond3A_92 = arith.cmpi ne, %convert_element_type3A_90, %cond3A_91 : i32
      scf.if %cond3A_92 {
        %mul3A_98 = arith.constant 128 : i32
        %mul3A_99 = arith.muli %add3A_88, %mul3A_98 : i32
        %multiple_of3A = tpu.assume_multiple %mul3A_99, 128 : i32
        %dma_start3A = arith.constant 0 : i32
        %dma_start3A_100 = tpu.memref_slice %arg2[%multiple_of3A, %dma_start3A] : memref<320000x128xf32, #tpu.memory_space<hbm>> -> memref<128x128xf32, #tpu.memory_space<hbm>>
        %dma_start3A_101 = arith.constant 0 : i32
        %dma_start3A_102 = tpu.memref_slice %arg2[%multiple_of3A, %dma_start3A_101] : memref<320000x128xf32, #tpu.memory_space<hbm>> -> memref<128x128xf32, #tpu.memory_space<hbm>>
        tpu.enqueue_dma source(%dma_start3A_102 : memref<128x128xf32, #tpu.memory_space<hbm>>) target(%arg8 : memref<128x128xf32, #tpu.memory_space<vmem>>) target_semaphore(%arg14 : memref<!tpu.dma_semaphore, #tpu.memory_space<semaphore_mem>>)
      } else {
      }
      %lt3A_93 = arith.cmpi slt, %add3A_86, %squeeze3A_37 : i32
      %convert_element_type3A_94 = arith.extui %lt3A_93 : i1 to i32
      %cond3A_95 = arith.constant 0 : i32
      %cond3A_96 = arith.cmpi ne, %convert_element_type3A_94, %cond3A_95 : i32
      scf.if %cond3A_96 {
        %mul3A_98 = arith.constant 128 : i32
        %mul3A_99 = arith.muli %add3A_86, %mul3A_98 : i32
        %multiple_of3A = tpu.assume_multiple %mul3A_99, 128 : i32
        "tpu.region"() ({
          %run_scoped3A = tpu.sem_alloc : memref<!tpu.dma_semaphore, #tpu.memory_space<semaphore_mem>>
          %dma_start3A_327 = tpu.memref_slice %arg3[%multiple_of3A] : memref<320000xi32, #tpu.memory_space<hbm>> -> memref<128xi32, #tpu.memory_space<hbm>>
          %dma_start3A_328 = tpu.memref_slice %arg3[%multiple_of3A] : memref<320000xi32, #tpu.memory_space<hbm>> -> memref<128xi32, #tpu.memory_space<hbm>>
          tpu.enqueue_dma source(%dma_start3A_328 : memref<128xi32, #tpu.memory_space<hbm>>) target(%arg11 : memref<128xi32, #tpu.memory_space<vmem>>) target_semaphore(%run_scoped3A : memref<!tpu.dma_semaphore, #tpu.memory_space<semaphore_mem>>)
          %dma_wait3A_329 = tpu.memref_slice %arg3[%multiple_of3A] : memref<320000xi32, #tpu.memory_space<hbm>> -> memref<128xi32, #tpu.memory_space<hbm>>
          %dma_wait3A_330 = tpu.memref_slice %arg3[%multiple_of3A] : memref<320000xi32, #tpu.memory_space<hbm>> -> memref<128xi32, #tpu.memory_space<hbm>>
          tpu.wait_dma2 semaphore(%run_scoped3A : memref<!tpu.dma_semaphore, #tpu.memory_space<semaphore_mem>>) src(%dma_wait3A_330 : memref<128xi32, #tpu.memory_space<hbm>>) dst(%arg11 : memref<128xi32, #tpu.memory_space<vmem>>)
          tpu.yield
        }) : () -> ()
        %get3A_100 = arith.constant 0 : index
        %get3A_101 = tpu.vector_load %arg11[%get3A_100] {strides = array<i32>} : memref<128xi32, #tpu.memory_space<vmem>>, vector<16xi32>,
        %get3A_102 = vector.shape_cast %get3A_101 : vector<16xi32> to vector<16xi32>
        %sub3A = vector.broadcast %mul3A_39 : i32 to vector<16xi32>
        %sub3A_103 = arith.subi %get3A_102, %sub3A : vector<16xi32>
        %ge3A = arith.constant 0 : i32
        %ge3A_104 = vector.broadcast %ge3A : i32 to vector<16xi32>
        %ge3A_105 = arith.cmpi sge, %sub3A_103, %ge3A_104 : vector<16xi32>
        %lt3A_106 = arith.constant 5120 : i32
        %lt3A_107 = vector.broadcast %lt3A_106 : i32 to vector<16xi32>
        %lt3A_108 = arith.cmpi slt, %sub3A_103, %lt3A_107 : vector<16xi32>
        %and3A = arith.andi %ge3A_105, %lt3A_108 : vector<16xi1>
        %jit3A = arith.constant 5120 : i32
        %broadcast_in_dim3A_109 = vector.broadcast %jit3A : i32 to vector<16xi32>
        %select_n3A = arith.select %and3A, %sub3A_103, %broadcast_in_dim3A_109 : vector<16xi1>, vector<16xi32>
        %swap3A = arith.constant 0 : index
        %swap3A_110 = tpu.vector_load %arg11[%swap3A] {strides = array<i32>} : memref<128xi32, #tpu.memory_space<vmem>>, vector<16xi32>,
        %swap3A_111 = vector.shape_cast %swap3A_110 : vector<16xi32> to vector<16xi32>
        %swap3A_112 = vector.shape_cast %select_n3A : vector<16xi32> to vector<16xi32>
        tpu.vector_store %arg11[%swap3A], %swap3A_112 {strides = array<i32>} : memref<128xi32, #tpu.memory_space<vmem>>, vector<16xi32>,
        %swap3A_113 = arith.constant 0 : i32
        %swap3A_114 = arith.index_cast %swap3A_113 : i32 to index
        %swap3A_115 = arith.constant 0 : index
        %swap3A_116 = tpu.vector_load %arg12[%swap3A_114, %swap3A_115] {strides = array<i32>} : memref<2x64xi32, #tpu.memory_space<vmem>>, vector<1x16xi32>,
        %swap3A_117 = vector.shape_cast %swap3A_116 : vector<1x16xi32> to vector<16xi32>
        %swap3A_118 = vector.shape_cast %select_n3A : vector<16xi32> to vector<1x16xi32>
        tpu.vector_store %arg12[%swap3A_114, %swap3A_115], %swap3A_118 {strides = array<i32>} : memref<2x64xi32, #tpu.memory_space<vmem>>, vector<1x16xi32>,
        %get3A_119 = arith.constant 16 : index
        %get3A_120 = tpu.vector_load %arg11[%get3A_119] {strides = array<i32>} : memref<128xi32, #tpu.memory_space<vmem>>, vector<16xi32>,
        %get3A_121 = vector.shape_cast %get3A_120 : vector<16xi32> to vector<16xi32>
        %sub3A_122 = vector.broadcast %mul3A_39 : i32 to vector<16xi32>
        %sub3A_123 = arith.subi %get3A_121, %sub3A_122 : vector<16xi32>
        %ge3A_124 = arith.constant 0 : i32
        %ge3A_125 = vector.broadcast %ge3A_124 : i32 to vector<16xi32>
        %ge3A_126 = arith.cmpi sge, %sub3A_123, %ge3A_125 : vector<16xi32>
        %lt3A_127 = arith.constant 5120 : i32
        %lt3A_128 = vector.broadcast %lt3A_127 : i32 to vector<16xi32>
        %lt3A_129 = arith.cmpi slt, %sub3A_123, %lt3A_128 : vector<16xi32>
        %and3A_130 = arith.andi %ge3A_126, %lt3A_129 : vector<16xi1>
        %jit3A_131 = arith.constant 5120 : i32
        %broadcast_in_dim3A_132 = vector.broadcast %jit3A_131 : i32 to vector<16xi32>
        %select_n3A_133 = arith.select %and3A_130, %sub3A_123, %broadcast_in_dim3A_132 : vector<16xi1>, vector<16xi32>
        %swap3A_134 = arith.constant 16 : index
        %swap3A_135 = tpu.vector_load %arg11[%swap3A_134] {strides = array<i32>} : memref<128xi32, #tpu.memory_space<vmem>>, vector<16xi32>,
        %swap3A_136 = vector.shape_cast %swap3A_135 : vector<16xi32> to vector<16xi32>
        %swap3A_137 = vector.shape_cast %select_n3A_133 : vector<16xi32> to vector<16xi32>
        tpu.vector_store %arg11[%swap3A_134], %swap3A_137 {strides = array<i32>} : memref<128xi32, #tpu.memory_space<vmem>>, vector<16xi32>,
        %swap3A_138 = arith.constant 0 : i32
        %swap3A_139 = arith.index_cast %swap3A_138 : i32 to index
        %swap3A_140 = arith.constant 16 : index
        %swap3A_141 = tpu.vector_load %arg12[%swap3A_139, %swap3A_140] {strides = array<i32>} : memref<2x64xi32, #tpu.memory_space<vmem>>, vector<1x16xi32>,
        %swap3A_142 = vector.shape_cast %swap3A_141 : vector<1x16xi32> to vector<16xi32>
        %swap3A_143 = vector.shape_cast %select_n3A_133 : vector<16xi32> to vector<1x16xi32>
        tpu.vector_store %arg12[%swap3A_139, %swap3A_140], %swap3A_143 {strides = array<i32>} : memref<2x64xi32, #tpu.memory_space<vmem>>, vector<1x16xi32>,
        %get3A_144 = arith.constant 32 : index
        %get3A_145 = tpu.vector_load %arg11[%get3A_144] {strides = array<i32>} : memref<128xi32, #tpu.memory_space<vmem>>, vector<16xi32>,
        %get3A_146 = vector.shape_cast %get3A_145 : vector<16xi32> to vector<16xi32>
        %sub3A_147 = vector.broadcast %mul3A_39 : i32 to vector<16xi32>
        %sub3A_148 = arith.subi %get3A_146, %sub3A_147 : vector<16xi32>
        %ge3A_149 = arith.constant 0 : i32
        %ge3A_150 = vector.broadcast %ge3A_149 : i32 to vector<16xi32>
        %ge3A_151 = arith.cmpi sge, %sub3A_148, %ge3A_150 : vector<16xi32>
        %lt3A_152 = arith.constant 5120 : i32
        %lt3A_153 = vector.broadcast %lt3A_152 : i32 to vector<16xi32>
        %lt3A_154 = arith.cmpi slt, %sub3A_148, %lt3A_153 : vector<16xi32>
        %and3A_155 = arith.andi %ge3A_151, %lt3A_154 : vector<16xi1>
        %jit3A_156 = arith.constant 5120 : i32
        %broadcast_in_dim3A_157 = vector.broadcast %jit3A_156 : i32 to vector<16xi32>
        %select_n3A_158 = arith.select %and3A_155, %sub3A_148, %broadcast_in_dim3A_157 : vector<16xi1>, vector<16xi32>
        %swap3A_159 = arith.constant 32 : index
        %swap3A_160 = tpu.vector_load %arg11[%swap3A_159] {strides = array<i32>} : memref<128xi32, #tpu.memory_space<vmem>>, vector<16xi32>,
        %swap3A_161 = vector.shape_cast %swap3A_160 : vector<16xi32> to vector<16xi32>
        %swap3A_162 = vector.shape_cast %select_n3A_158 : vector<16xi32> to vector<16xi32>
        tpu.vector_store %arg11[%swap3A_159], %swap3A_162 {strides = array<i32>} : memref<128xi32, #tpu.memory_space<vmem>>, vector<16xi32>,
        %swap3A_163 = arith.constant 0 : i32
        %swap3A_164 = arith.index_cast %swap3A_163 : i32 to index
        %swap3A_165 = arith.constant 32 : index
        %swap3A_166 = tpu.vector_load %arg12[%swap3A_164, %swap3A_165] {strides = array<i32>} : memref<2x64xi32, #tpu.memory_space<vmem>>, vector<1x16xi32>,
        %swap3A_167 = vector.shape_cast %swap3A_166 : vector<1x16xi32> to vector<16xi32>
        %swap3A_168 = vector.shape_cast %select_n3A_158 : vector<16xi32> to vector<1x16xi32>
        tpu.vector_store %arg12[%swap3A_164, %swap3A_165], %swap3A_168 {strides = array<i32>} : memref<2x64xi32, #tpu.memory_space<vmem>>, vector<1x16xi32>,
        %get3A_169 = arith.constant 48 : index
        %get3A_170 = tpu.vector_load %arg11[%get3A_169] {strides = array<i32>} : memref<128xi32, #tpu.memory_space<vmem>>, vector<16xi32>,
        %get3A_171 = vector.shape_cast %get3A_170 : vector<16xi32> to vector<16xi32>
        %sub3A_172 = vector.broadcast %mul3A_39 : i32 to vector<16xi32>
        %sub3A_173 = arith.subi %get3A_171, %sub3A_172 : vector<16xi32>
        %ge3A_174 = arith.constant 0 : i32
        %ge3A_175 = vector.broadcast %ge3A_174 : i32 to vector<16xi32>
        %ge3A_176 = arith.cmpi sge, %sub3A_173, %ge3A_175 : vector<16xi32>
        %lt3A_177 = arith.constant 5120 : i32
        %lt3A_178 = vector.broadcast %lt3A_177 : i32 to vector<16xi32>
        %lt3A_179 = arith.cmpi slt, %sub3A_173, %lt3A_178 : vector<16xi32>
        %and3A_180 = arith.andi %ge3A_176, %lt3A_179 : vector<16xi1>
        %jit3A_181 = arith.constant 5120 : i32
        %broadcast_in_dim3A_182 = vector.broadcast %jit3A_181 : i32 to vector<16xi32>
        %select_n3A_183 = arith.select %and3A_180, %sub3A_173, %broadcast_in_dim3A_182 : vector<16xi1>, vector<16xi32>
        %swap3A_184 = arith.constant 48 : index
        %swap3A_185 = tpu.vector_load %arg11[%swap3A_184] {strides = array<i32>} : memref<128xi32, #tpu.memory_space<vmem>>, vector<16xi32>,
        %swap3A_186 = vector.shape_cast %swap3A_185 : vector<16xi32> to vector<16xi32>
        %swap3A_187 = vector.shape_cast %select_n3A_183 : vector<16xi32> to vector<16xi32>
        tpu.vector_store %arg11[%swap3A_184], %swap3A_187 {strides = array<i32>} : memref<128xi32, #tpu.memory_space<vmem>>, vector<16xi32>,
        %swap3A_188 = arith.constant 0 : i32
        %swap3A_189 = arith.index_cast %swap3A_188 : i32 to index
        %swap3A_190 = arith.constant 48 : index
        %swap3A_191 = tpu.vector_load %arg12[%swap3A_189, %swap3A_190] {strides = array<i32>} : memref<2x64xi32, #tpu.memory_space<vmem>>, vector<1x16xi32>,
        %swap3A_192 = vector.shape_cast %swap3A_191 : vector<1x16xi32> to vector<16xi32>
        %swap3A_193 = vector.shape_cast %select_n3A_183 : vector<16xi32> to vector<1x16xi32>
        tpu.vector_store %arg12[%swap3A_189, %swap3A_190], %swap3A_193 {strides = array<i32>} : memref<2x64xi32, #tpu.memory_space<vmem>>, vector<1x16xi32>,
        %get3A_194 = arith.constant 64 : index
        %get3A_195 = tpu.vector_load %arg11[%get3A_194] {strides = array<i32>} : memref<128xi32, #tpu.memory_space<vmem>>, vector<16xi32>,
        %get3A_196 = vector.shape_cast %get3A_195 : vector<16xi32> to vector<16xi32>
        %sub3A_197 = vector.broadcast %mul3A_39 : i32 to vector<16xi32>
        %sub3A_198 = arith.subi %get3A_196, %sub3A_197 : vector<16xi32>
        %ge3A_199 = arith.constant 0 : i32
        %ge3A_200 = vector.broadcast %ge3A_199 : i32 to vector<16xi32>
        %ge3A_201 = arith.cmpi sge, %sub3A_198, %ge3A_200 : vector<16xi32>
        %lt3A_202 = arith.constant 5120 : i32
        %lt3A_203 = vector.broadcast %lt3A_202 : i32 to vector<16xi32>
        %lt3A_204 = arith.cmpi slt, %sub3A_198, %lt3A_203 : vector<16xi32>
        %and3A_205 = arith.andi %ge3A_201, %lt3A_204 : vector<16xi1>
        %jit3A_206 = arith.constant 5120 : i32
        %broadcast_in_dim3A_207 = vector.broadcast %jit3A_206 : i32 to vector<16xi32>
        %select_n3A_208 = arith.select %and3A_205, %sub3A_198, %broadcast_in_dim3A_207 : vector<16xi1>, vector<16xi32>
        %swap3A_209 = arith.constant 64 : index
        %swap3A_210 = tpu.vector_load %arg11[%swap3A_209] {strides = array<i32>} : memref<128xi32, #tpu.memory_space<vmem>>, vector<16xi32>,
        %swap3A_211 = vector.shape_cast %swap3A_210 : vector<16xi32> to vector<16xi32>
        %swap3A_212 = vector.shape_cast %select_n3A_208 : vector<16xi32> to vector<16xi32>
        tpu.vector_store %arg11[%swap3A_209], %swap3A_212 {strides = array<i32>} : memref<128xi32, #tpu.memory_space<vmem>>, vector<16xi32>,
        %swap3A_213 = arith.constant 1 : i32
        %swap3A_214 = arith.index_cast %swap3A_213 : i32 to index
        %swap3A_215 = arith.constant 0 : index
        %swap3A_216 = tpu.vector_load %arg12[%swap3A_214, %swap3A_215] {strides = array<i32>} : memref<2x64xi32, #tpu.memory_space<vmem>>, vector<1x16xi32>,
        %swap3A_217 = vector.shape_cast %swap3A_216 : vector<1x16xi32> to vector<16xi32>
        %swap3A_218 = vector.shape_cast %select_n3A_208 : vector<16xi32> to vector<1x16xi32>
        tpu.vector_store %arg12[%swap3A_214, %swap3A_215], %swap3A_218 {strides = array<i32>} : memref<2x64xi32, #tpu.memory_space<vmem>>, vector<1x16xi32>,
        %get3A_219 = arith.constant 80 : index
        %get3A_220 = tpu.vector_load %arg11[%get3A_219] {strides = array<i32>} : memref<128xi32, #tpu.memory_space<vmem>>, vector<16xi32>,
        %get3A_221 = vector.shape_cast %get3A_220 : vector<16xi32> to vector<16xi32>
        %sub3A_222 = vector.broadcast %mul3A_39 : i32 to vector<16xi32>
        %sub3A_223 = arith.subi %get3A_221, %sub3A_222 : vector<16xi32>
        %ge3A_224 = arith.constant 0 : i32
        %ge3A_225 = vector.broadcast %ge3A_224 : i32 to vector<16xi32>
        %ge3A_226 = arith.cmpi sge, %sub3A_223, %ge3A_225 : vector<16xi32>
        %lt3A_227 = arith.constant 5120 : i32
        %lt3A_228 = vector.broadcast %lt3A_227 : i32 to vector<16xi32>
        %lt3A_229 = arith.cmpi slt, %sub3A_223, %lt3A_228 : vector<16xi32>
        %and3A_230 = arith.andi %ge3A_226, %lt3A_229 : vector<16xi1>
        %jit3A_231 = arith.constant 5120 : i32
        %broadcast_in_dim3A_232 = vector.broadcast %jit3A_231 : i32 to vector<16xi32>
        %select_n3A_233 = arith.select %and3A_230, %sub3A_223, %broadcast_in_dim3A_232 : vector<16xi1>, vector<16xi32>
        %swap3A_234 = arith.constant 80 : index
        %swap3A_235 = tpu.vector_load %arg11[%swap3A_234] {strides = array<i32>} : memref<128xi32, #tpu.memory_space<vmem>>, vector<16xi32>,
        %swap3A_236 = vector.shape_cast %swap3A_235 : vector<16xi32> to vector<16xi32>
        %swap3A_237 = vector.shape_cast %select_n3A_233 : vector<16xi32> to vector<16xi32>
        tpu.vector_store %arg11[%swap3A_234], %swap3A_237 {strides = array<i32>} : memref<128xi32, #tpu.memory_space<vmem>>, vector<16xi32>,
        %swap3A_238 = arith.constant 1 : i32
        %swap3A_239 = arith.index_cast %swap3A_238 : i32 to index
        %swap3A_240 = arith.constant 16 : index
        %swap3A_241 = tpu.vector_load %arg12[%swap3A_239, %swap3A_240] {strides = array<i32>} : memref<2x64xi32, #tpu.memory_space<vmem>>, vector<1x16xi32>,
        %swap3A_242 = vector.shape_cast %swap3A_241 : vector<1x16xi32> to vector<16xi32>
        %swap3A_243 = vector.shape_cast %select_n3A_233 : vector<16xi32> to vector<1x16xi32>
        tpu.vector_store %arg12[%swap3A_239, %swap3A_240], %swap3A_243 {strides = array<i32>} : memref<2x64xi32, #tpu.memory_space<vmem>>, vector<1x16xi32>,
        %get3A_244 = arith.constant 96 : index
        %get3A_245 = tpu.vector_load %arg11[%get3A_244] {strides = array<i32>} : memref<128xi32, #tpu.memory_space<vmem>>, vector<16xi32>,
        %get3A_246 = vector.shape_cast %get3A_245 : vector<16xi32> to vector<16xi32>
        %sub3A_247 = vector.broadcast %mul3A_39 : i32 to vector<16xi32>
        %sub3A_248 = arith.subi %get3A_246, %sub3A_247 : vector<16xi32>
        %ge3A_249 = arith.constant 0 : i32
        %ge3A_250 = vector.broadcast %ge3A_249 : i32 to vector<16xi32>
        %ge3A_251 = arith.cmpi sge, %sub3A_248, %ge3A_250 : vector<16xi32>
        %lt3A_252 = arith.constant 5120 : i32
        %lt3A_253 = vector.broadcast %lt3A_252 : i32 to vector<16xi32>
        %lt3A_254 = arith.cmpi slt, %sub3A_248, %lt3A_253 : vector<16xi32>
        %and3A_255 = arith.andi %ge3A_251, %lt3A_254 : vector<16xi1>
        %jit3A_256 = arith.constant 5120 : i32
        %broadcast_in_dim3A_257 = vector.broadcast %jit3A_256 : i32 to vector<16xi32>
        %select_n3A_258 = arith.select %and3A_255, %sub3A_248, %broadcast_in_dim3A_257 : vector<16xi1>, vector<16xi32>
        %swap3A_259 = arith.constant 96 : index
        %swap3A_260 = tpu.vector_load %arg11[%swap3A_259] {strides = array<i32>} : memref<128xi32, #tpu.memory_space<vmem>>, vector<16xi32>,
        %swap3A_261 = vector.shape_cast %swap3A_260 : vector<16xi32> to vector<16xi32>
        %swap3A_262 = vector.shape_cast %select_n3A_258 : vector<16xi32> to vector<16xi32>
        tpu.vector_store %arg11[%swap3A_259], %swap3A_262 {strides = array<i32>} : memref<128xi32, #tpu.memory_space<vmem>>, vector<16xi32>,
        %swap3A_263 = arith.constant 1 : i32
        %swap3A_264 = arith.index_cast %swap3A_263 : i32 to index
        %swap3A_265 = arith.constant 32 : index
        %swap3A_266 = tpu.vector_load %arg12[%swap3A_264, %swap3A_265] {strides = array<i32>} : memref<2x64xi32, #tpu.memory_space<vmem>>, vector<1x16xi32>,
        %swap3A_267 = vector.shape_cast %swap3A_266 : vector<1x16xi32> to vector<16xi32>
        %swap3A_268 = vector.shape_cast %select_n3A_258 : vector<16xi32> to vector<1x16xi32>
        tpu.vector_store %arg12[%swap3A_264, %swap3A_265], %swap3A_268 {strides = array<i32>} : memref<2x64xi32, #tpu.memory_space<vmem>>, vector<1x16xi32>,
        %get3A_269 = arith.constant 112 : index
        %get3A_270 = tpu.vector_load %arg11[%get3A_269] {strides = array<i32>} : memref<128xi32, #tpu.memory_space<vmem>>, vector<16xi32>,
        %get3A_271 = vector.shape_cast %get3A_270 : vector<16xi32> to vector<16xi32>
        %sub3A_272 = vector.broadcast %mul3A_39 : i32 to vector<16xi32>
        %sub3A_273 = arith.subi %get3A_271, %sub3A_272 : vector<16xi32>
        %ge3A_274 = arith.constant 0 : i32
        %ge3A_275 = vector.broadcast %ge3A_274 : i32 to vector<16xi32>
        %ge3A_276 = arith.cmpi sge, %sub3A_273, %ge3A_275 : vector<16xi32>
        %lt3A_277 = arith.constant 5120 : i32
        %lt3A_278 = vector.broadcast %lt3A_277 : i32 to vector<16xi32>
        %lt3A_279 = arith.cmpi slt, %sub3A_273, %lt3A_278 : vector<16xi32>
        %and3A_280 = arith.andi %ge3A_276, %lt3A_279 : vector<16xi1>
        %jit3A_281 = arith.constant 5120 : i32
        %broadcast_in_dim3A_282 = vector.broadcast %jit3A_281 : i32 to vector<16xi32>
        %select_n3A_283 = arith.select %and3A_280, %sub3A_273, %broadcast_in_dim3A_282 : vector<16xi1>, vector<16xi32>
        %swap3A_284 = arith.constant 112 : index
        %swap3A_285 = tpu.vector_load %arg11[%swap3A_284] {strides = array<i32>} : memref<128xi32, #tpu.memory_space<vmem>>, vector<16xi32>,
        %swap3A_286 = vector.shape_cast %swap3A_285 : vector<16xi32> to vector<16xi32>
        %swap3A_287 = vector.shape_cast %select_n3A_283 : vector<16xi32> to vector<16xi32>
        tpu.vector_store %arg11[%swap3A_284], %swap3A_287 {strides = array<i32>} : memref<128xi32, #tpu.memory_space<vmem>>, vector<16xi32>,
        %swap3A_288 = arith.constant 1 : i32
        %swap3A_289 = arith.index_cast %swap3A_288 : i32 to index
        %swap3A_290 = arith.constant 48 : index
        %swap3A_291 = tpu.vector_load %arg12[%swap3A_289, %swap3A_290] {strides = array<i32>} : memref<2x64xi32, #tpu.memory_space<vmem>>, vector<1x16xi32>,
        %swap3A_292 = vector.shape_cast %swap3A_291 : vector<1x16xi32> to vector<16xi32>
        %swap3A_293 = vector.shape_cast %select_n3A_283 : vector<16xi32> to vector<1x16xi32>
        tpu.vector_store %arg12[%swap3A_289, %swap3A_290], %swap3A_293 {strides = array<i32>} : memref<2x64xi32, #tpu.memory_space<vmem>>, vector<1x16xi32>,
        %mul3A_294 = arith.constant 128 : i32
        %mul3A_295 = arith.muli %add3A_86, %mul3A_294 : i32
        %multiple_of3A_296 = tpu.assume_multiple %mul3A_295, 128 : i32
        %dma_wait3A = arith.constant 0 : i32
        %dma_wait3A_297 = tpu.memref_slice %arg2[%multiple_of3A_296, %dma_wait3A] : memref<320000x128xf32, #tpu.memory_space<hbm>> -> memref<128x128xf32, #tpu.memory_space<hbm>>
        %dma_wait3A_298 = arith.constant 0 : i32
        %dma_wait3A_299 = tpu.memref_slice %arg2[%multiple_of3A_296, %dma_wait3A_298] : memref<320000x128xf32, #tpu.memory_space<hbm>> -> memref<128x128xf32, #tpu.memory_space<hbm>>
        tpu.wait_dma2 semaphore(%arg15 : memref<!tpu.dma_semaphore, #tpu.memory_space<semaphore_mem>>) src(%dma_wait3A_299 : memref<128x128xf32, #tpu.memory_space<hbm>>) dst(%arg9 : memref<128x128xf32, #tpu.memory_space<vmem>>)
        %dma_start3A = arith.constant 0 : i32
        %dma_start3A_300 = arith.constant 0 : i32
        %dma_start3A_301 = tpu.memref_slice %arg12[%dma_start3A, %dma_start3A_300] : memref<2x64xi32, #tpu.memory_space<vmem>> -> memref<1x64xi32, #tpu.memory_space<vmem>>
        %dma_start3A_302 = tpu.memref_squeeze %dma_start3A_301 : memref<1x64xi32, #tpu.memory_space<vmem>> -> memref<64xi32, #tpu.memory_space<vmem>>
        %dma_start3A_303 = arith.constant 0 : i32
        %dma_start3A_304 = arith.constant 0 : i32
        %dma_start3A_305 = tpu.memref_slice %arg7[%dma_start3A_303, %dma_start3A_304] : memref<5128x128xf32, #tpu.memory_space<vmem_shared>> -> memref<5128x128xf32, #tpu.memory_space<vmem_shared>>
        tpu.enqueue_indirect_dma source(%arg10 : memref<64x128xf32, #tpu.memory_space<vmem>>) target(%dma_start3A_305 : memref<5128x128xf32, #tpu.memory_space<vmem_shared>>) offsets(%dma_start3A_302 : memref<64xi32, #tpu.memory_space<vmem>>) semaphore(%arg16 : memref<!tpu.dma_semaphore, #tpu.memory_space<semaphore_mem>>) {add = true}
        %dma_start3A_306 = arith.constant 1 : i32
        %dma_start3A_307 = arith.constant 0 : i32
        %dma_start3A_308 = tpu.memref_slice %arg12[%dma_start3A_306, %dma_start3A_307] : memref<2x64xi32, #tpu.memory_space<vmem>> -> memref<1x64xi32, #tpu.memory_space<vmem>>
        %dma_start3A_309 = tpu.memref_squeeze %dma_start3A_308 : memref<1x64xi32, #tpu.memory_space<vmem>> -> memref<64xi32, #tpu.memory_space<vmem>>
        %dma_start3A_310 = arith.constant 0 : i32
        %dma_start3A_311 = arith.constant 0 : i32
        %dma_start3A_312 = tpu.memref_slice %arg7[%dma_start3A_310, %dma_start3A_311] : memref<5128x128xf32, #tpu.memory_space<vmem_shared>> -> memref<5128x128xf32, #tpu.memory_space<vmem_shared>>
        tpu.enqueue_indirect_dma source(%arg10 : memref<64x128xf32, #tpu.memory_space<vmem>>) target(%dma_start3A_312 : memref<5128x128xf32, #tpu.memory_space<vmem_shared>>) offsets(%dma_start3A_309 : memref<64xi32, #tpu.memory_space<vmem>>) semaphore(%arg16 : memref<!tpu.dma_semaphore, #tpu.memory_space<semaphore_mem>>) {add = true}
        "tpu.region"() ({
          %run_scoped3A = tpu.sem_alloc : memref<!tpu.dma_semaphore, #tpu.memory_space<semaphore_mem>>
          %dma_start3A_327 = arith.constant 0 : i32
          %dma_start3A_328 = arith.constant 0 : i32
          %dma_start3A_329 = tpu.memref_slice %arg6[%dma_start3A_327, %dma_start3A_328] : memref<5128x128xf32, #tpu.memory_space<vmem_shared>> -> memref<5128x128xf32, #tpu.memory_space<vmem_shared>>
          tpu.enqueue_indirect_dma source(%arg9 : memref<128x128xf32, #tpu.memory_space<vmem>>) target(%dma_start3A_329 : memref<5128x128xf32, #tpu.memory_space<vmem_shared>>) offsets(%arg11 : memref<128xi32, #tpu.memory_space<vmem>>) semaphore(%run_scoped3A : memref<!tpu.dma_semaphore, #tpu.memory_space<semaphore_mem>>) {add = true}
          %dma_wait3A_330 = arith.constant 0 : i32
          %dma_wait3A_331 = arith.constant 0 : i32
          %dma_wait3A_332 = tpu.memref_slice %arg6[%dma_wait3A_330, %dma_wait3A_331] : memref<5128x128xf32, #tpu.memory_space<vmem_shared>> -> memref<5128x128xf32, #tpu.memory_space<vmem_shared>>
          tpu.wait_indirect_dma semaphore(%run_scoped3A : memref<!tpu.dma_semaphore, #tpu.memory_space<semaphore_mem>>) src(%arg9 : memref<128x128xf32, #tpu.memory_space<vmem>>) dst(%dma_wait3A_332 : memref<5128x128xf32, #tpu.memory_space<vmem_shared>>)
          tpu.yield
        }) : () -> ()
        %dma_wait3A_313 = arith.constant 0 : i32
        %dma_wait3A_314 = arith.constant 0 : i32
        %dma_wait3A_315 = tpu.memref_slice %arg12[%dma_wait3A_313, %dma_wait3A_314] : memref<2x64xi32, #tpu.memory_space<vmem>> -> memref<1x64xi32, #tpu.memory_space<vmem>>
        %dma_wait3A_316 = tpu.memref_squeeze %dma_wait3A_315 : memref<1x64xi32, #tpu.memory_space<vmem>> -> memref<64xi32, #tpu.memory_space<vmem>>
        %dma_wait3A_317 = arith.constant 0 : i32
        %dma_wait3A_318 = arith.constant 0 : i32
        %dma_wait3A_319 = tpu.memref_slice %arg7[%dma_wait3A_317, %dma_wait3A_318] : memref<5128x128xf32, #tpu.memory_space<vmem_shared>> -> memref<5128x128xf32, #tpu.memory_space<vmem_shared>>
        tpu.wait_indirect_dma semaphore(%arg16 : memref<!tpu.dma_semaphore, #tpu.memory_space<semaphore_mem>>) src(%arg10 : memref<64x128xf32, #tpu.memory_space<vmem>>) dst(%dma_wait3A_319 : memref<5128x128xf32, #tpu.memory_space<vmem_shared>>)
        %dma_wait3A_320 = arith.constant 1 : i32
        %dma_wait3A_321 = arith.constant 0 : i32
        %dma_wait3A_322 = tpu.memref_slice %arg12[%dma_wait3A_320, %dma_wait3A_321] : memref<2x64xi32, #tpu.memory_space<vmem>> -> memref<1x64xi32, #tpu.memory_space<vmem>>
        %dma_wait3A_323 = tpu.memref_squeeze %dma_wait3A_322 : memref<1x64xi32, #tpu.memory_space<vmem>> -> memref<64xi32, #tpu.memory_space<vmem>>
        %dma_wait3A_324 = arith.constant 0 : i32
        %dma_wait3A_325 = arith.constant 0 : i32
        %dma_wait3A_326 = tpu.memref_slice %arg7[%dma_wait3A_324, %dma_wait3A_325] : memref<5128x128xf32, #tpu.memory_space<vmem_shared>> -> memref<5128x128xf32, #tpu.memory_space<vmem_shared>>
        tpu.wait_indirect_dma semaphore(%arg16 : memref<!tpu.dma_semaphore, #tpu.memory_space<semaphore_mem>>) src(%arg10 : memref<64x128xf32, #tpu.memory_space<vmem>>) dst(%dma_wait3A_326 : memref<5128x128xf32, #tpu.memory_space<vmem_shared>>)
      } else {
      }
      %scan3A_97 = arith.constant 0 : i32
      scf.yield %scan3A_97 : i32
    }
    %scan3A_50 = arith.constant 79 : i32
    %barrier3A_51 = arith.constant 0 : index
    tpu.barrier barrier_id(%barrier3A_51)
    %scan3A_52 = arith.constant 0 : i32
    %scan3A_53 = arith.constant 0 : i32
    %scan3A_54 = arith.constant 5 : i32
    %scan3A_55 = arith.addi %scan3A_53, %scan3A_54 : i32
    %scan3A_56 = arith.constant 1 : i32
    %scan3A_57 = scf.for %scan3A_59 = %scan3A_53 to %scan3A_55 step %scan3A_56 iter_args(%scan3A_60 = %scan3A_52) -> (i32)  : i32 {
      %mul3A_61 = arith.constant 320 : i32
      %mul3A_62 = arith.muli %arg1, %mul3A_61 : i32
      %mul3A_63 = arith.constant 64 : i32
      %mul3A_64 = arith.muli %scan3A_59, %mul3A_63 : i32
      %add3A_65 = arith.addi %mul3A_62, %mul3A_64 : i32
      "tpu.region"() ({
        %run_scoped3A = tpu.sem_alloc : memref<!tpu.dma_semaphore, #tpu.memory_space<semaphore_mem>>
        %dma_start3A = arith.constant 0 : i32
        %dma_start3A_77 = arith.constant 0 : i32
        %dma_start3A_78 = tpu.memref_slice %arg8[%dma_start3A, %dma_start3A_77] : memref<128x128xf32, #tpu.memory_space<vmem>> -> memref<64x128xf32, #tpu.memory_space<vmem>>
        %dma_start3A_79 = arith.constant 0 : i32
        %dma_start3A_80 = tpu.memref_slice %arg6[%add3A_65, %dma_start3A_79] : memref<5128x128xf32, #tpu.memory_space<vmem_shared>> -> memref<64x128xf32, #tpu.memory_space<vmem_shared>>
        %dma_start3A_81 = arith.constant 0 : i32
        %dma_start3A_82 = arith.constant 0 : i32
        %dma_start3A_83 = tpu.memref_slice %arg8[%dma_start3A_81, %dma_start3A_82] : memref<128x128xf32, #tpu.memory_space<vmem>> -> memref<64x128xf32, #tpu.memory_space<vmem>>
        %dma_start3A_84 = arith.constant 0 : i32
        %dma_start3A_85 = tpu.memref_slice %arg6[%add3A_65, %dma_start3A_84] : memref<5128x128xf32, #tpu.memory_space<vmem_shared>> -> memref<64x128xf32, #tpu.memory_space<vmem_shared>>
        tpu.enqueue_dma source(%dma_start3A_85 : memref<64x128xf32, #tpu.memory_space<vmem_shared>>) target(%dma_start3A_83 : memref<64x128xf32, #tpu.memory_space<vmem>>) target_semaphore(%run_scoped3A : memref<!tpu.dma_semaphore, #tpu.memory_space<semaphore_mem>>)
        %dma_wait3A = arith.constant 0 : i32
        %dma_wait3A_86 = arith.constant 0 : i32
        %dma_wait3A_87 = tpu.memref_slice %arg8[%dma_wait3A, %dma_wait3A_86] : memref<128x128xf32, #tpu.memory_space<vmem>> -> memref<64x128xf32, #tpu.memory_space<vmem>>
        %dma_wait3A_88 = arith.constant 0 : i32
        %dma_wait3A_89 = tpu.memref_slice %arg6[%add3A_65, %dma_wait3A_88] : memref<5128x128xf32, #tpu.memory_space<vmem_shared>> -> memref<64x128xf32, #tpu.memory_space<vmem_shared>>
        %dma_wait3A_90 = arith.constant 0 : i32
        %dma_wait3A_91 = arith.constant 0 : i32
        %dma_wait3A_92 = tpu.memref_slice %arg8[%dma_wait3A_90, %dma_wait3A_91] : memref<128x128xf32, #tpu.memory_space<vmem>> -> memref<64x128xf32, #tpu.memory_space<vmem>>
        %dma_wait3A_93 = arith.constant 0 : i32
        %dma_wait3A_94 = tpu.memref_slice %arg6[%add3A_65, %dma_wait3A_93] : memref<5128x128xf32, #tpu.memory_space<vmem_shared>> -> memref<64x128xf32, #tpu.memory_space<vmem_shared>>
        tpu.wait_dma2 semaphore(%run_scoped3A : memref<!tpu.dma_semaphore, #tpu.memory_space<semaphore_mem>>) src(%dma_wait3A_94 : memref<64x128xf32, #tpu.memory_space<vmem_shared>>) dst(%dma_wait3A_92 : memref<64x128xf32, #tpu.memory_space<vmem>>)
        tpu.yield
      }) : () -> ()
      "tpu.region"() ({
        %run_scoped3A = tpu.sem_alloc : memref<!tpu.dma_semaphore, #tpu.memory_space<semaphore_mem>>
        %dma_start3A = arith.constant 0 : i32
        %dma_start3A_77 = arith.constant 0 : i32
        %dma_start3A_78 = tpu.memref_slice %arg9[%dma_start3A, %dma_start3A_77] : memref<128x128xf32, #tpu.memory_space<vmem>> -> memref<64x128xf32, #tpu.memory_space<vmem>>
        %dma_start3A_79 = arith.constant 0 : i32
        %dma_start3A_80 = tpu.memref_slice %arg7[%add3A_65, %dma_start3A_79] : memref<5128x128xf32, #tpu.memory_space<vmem_shared>> -> memref<64x128xf32, #tpu.memory_space<vmem_shared>>
        %dma_start3A_81 = arith.constant 0 : i32
        %dma_start3A_82 = arith.constant 0 : i32
        %dma_start3A_83 = tpu.memref_slice %arg9[%dma_start3A_81, %dma_start3A_82] : memref<128x128xf32, #tpu.memory_space<vmem>> -> memref<64x128xf32, #tpu.memory_space<vmem>>
        %dma_start3A_84 = arith.constant 0 : i32
        %dma_start3A_85 = tpu.memref_slice %arg7[%add3A_65, %dma_start3A_84] : memref<5128x128xf32, #tpu.memory_space<vmem_shared>> -> memref<64x128xf32, #tpu.memory_space<vmem_shared>>
        tpu.enqueue_dma source(%dma_start3A_85 : memref<64x128xf32, #tpu.memory_space<vmem_shared>>) target(%dma_start3A_83 : memref<64x128xf32, #tpu.memory_space<vmem>>) target_semaphore(%run_scoped3A : memref<!tpu.dma_semaphore, #tpu.memory_space<semaphore_mem>>)
        %dma_wait3A = arith.constant 0 : i32
        %dma_wait3A_86 = arith.constant 0 : i32
        %dma_wait3A_87 = tpu.memref_slice %arg9[%dma_wait3A, %dma_wait3A_86] : memref<128x128xf32, #tpu.memory_space<vmem>> -> memref<64x128xf32, #tpu.memory_space<vmem>>
        %dma_wait3A_88 = arith.constant 0 : i32
        %dma_wait3A_89 = tpu.memref_slice %arg7[%add3A_65, %dma_wait3A_88] : memref<5128x128xf32, #tpu.memory_space<vmem_shared>> -> memref<64x128xf32, #tpu.memory_space<vmem_shared>>
        %dma_wait3A_90 = arith.constant 0 : i32
        %dma_wait3A_91 = arith.constant 0 : i32
        %dma_wait3A_92 = tpu.memref_slice %arg9[%dma_wait3A_90, %dma_wait3A_91] : memref<128x128xf32, #tpu.memory_space<vmem>> -> memref<64x128xf32, #tpu.memory_space<vmem>>
        %dma_wait3A_93 = arith.constant 0 : i32
        %dma_wait3A_94 = tpu.memref_slice %arg7[%add3A_65, %dma_wait3A_93] : memref<5128x128xf32, #tpu.memory_space<vmem_shared>> -> memref<64x128xf32, #tpu.memory_space<vmem_shared>>
        tpu.wait_dma2 semaphore(%run_scoped3A : memref<!tpu.dma_semaphore, #tpu.memory_space<semaphore_mem>>) src(%dma_wait3A_94 : memref<64x128xf32, #tpu.memory_space<vmem_shared>>) dst(%dma_wait3A_92 : memref<64x128xf32, #tpu.memory_space<vmem>>)
        tpu.yield
      }) : () -> ()
      %scan3A_66 = arith.constant 0 : i32
      %scan3A_67 = arith.constant 0 : i32
      %scan3A_68 = arith.constant 64 : i32
      %scan3A_69 = arith.addi %scan3A_67, %scan3A_68 : i32
      %scan3A_70 = arith.constant 1 : i32
      %scan3A_71 = scf.for %scan3A_77 = %scan3A_67 to %scan3A_69 step %scan3A_70 iter_args(%scan3A_78 = %scan3A_66) -> (i32)  : i32 {
        %get3A_79 = arith.index_cast %scan3A_77 : i32 to index
        %get3A_80 = arith.constant 0 : index
        %get3A_81 = tpu.vector_load %arg9[%get3A_79, %get3A_80] {strides = array<i32>} : memref<128x128xf32, #tpu.memory_space<vmem>>, vector<1x16xf32>,
        %get3A_82 = vector.shape_cast %get3A_81 : vector<1x16xf32> to vector<16xf32>
        %gt3A = arith.constant 0.000000e+00 : f32
        %gt3A_83 = vector.broadcast %gt3A : f32 to vector<16xf32>
        %gt3A_84 = arith.cmpf ogt, %get3A_82, %gt3A_83 : vector<16xf32>
        %max3A = arith.constant 1.000000e+00 : f32
        %max3A_85 = vector.broadcast %max3A : f32 to vector<16xf32>
        %max3A_86 = arith.maximumf %get3A_82, %max3A_85 : vector<16xf32>
        %get3A_87 = arith.index_cast %scan3A_77 : i32 to index
        %get3A_88 = arith.constant 0 : index
        %get3A_89 = tpu.vector_load %arg8[%get3A_87, %get3A_88] {strides = array<i32>} : memref<128x128xf32, #tpu.memory_space<vmem>>, vector<1x16xf32>,
        %get3A_90 = vector.shape_cast %get3A_89 : vector<1x16xf32> to vector<16xf32>
        %div3A = arith.divf %get3A_90, %max3A_86 : vector<16xf32>
        %jit3A = arith.constant 0.000000e+00 : f32
        %broadcast_in_dim3A_91 = vector.broadcast %jit3A : f32 to vector<16xf32>
        %select_n3A = arith.select %gt3A_84, %div3A, %broadcast_in_dim3A_91 : vector<16xi1>, vector<16xf32>
        %swap3A = arith.index_cast %scan3A_77 : i32 to index
        %swap3A_92 = arith.constant 0 : index
        %swap3A_93 = tpu.vector_load %arg8[%swap3A, %swap3A_92] {strides = array<i32>} : memref<128x128xf32, #tpu.memory_space<vmem>>, vector<1x16xf32>,
        %swap3A_94 = vector.shape_cast %swap3A_93 : vector<1x16xf32> to vector<16xf32>
        %swap3A_95 = vector.shape_cast %select_n3A : vector<16xf32> to vector<1x16xf32>
        tpu.vector_store %arg8[%swap3A, %swap3A_92], %swap3A_95 {strides = array<i32>} : memref<128x128xf32, #tpu.memory_space<vmem>>, vector<1x16xf32>,
        %get3A_96 = arith.index_cast %scan3A_77 : i32 to index
        %get3A_97 = arith.constant 16 : index
        %get3A_98 = tpu.vector_load %arg8[%get3A_96, %get3A_97] {strides = array<i32>} : memref<128x128xf32, #tpu.memory_space<vmem>>, vector<1x16xf32>,
        %get3A_99 = vector.shape_cast %get3A_98 : vector<1x16xf32> to vector<16xf32>
        %div3A_100 = arith.divf %get3A_99, %max3A_86 : vector<16xf32>
        %jit3A_101 = arith.constant 0.000000e+00 : f32
        %broadcast_in_dim3A_102 = vector.broadcast %jit3A_101 : f32 to vector<16xf32>
        %select_n3A_103 = arith.select %gt3A_84, %div3A_100, %broadcast_in_dim3A_102 : vector<16xi1>, vector<16xf32>
        %swap3A_104 = arith.index_cast %scan3A_77 : i32 to index
        %swap3A_105 = arith.constant 16 : index
        %swap3A_106 = tpu.vector_load %arg8[%swap3A_104, %swap3A_105] {strides = array<i32>} : memref<128x128xf32, #tpu.memory_space<vmem>>, vector<1x16xf32>,
        %swap3A_107 = vector.shape_cast %swap3A_106 : vector<1x16xf32> to vector<16xf32>
        %swap3A_108 = vector.shape_cast %select_n3A_103 : vector<16xf32> to vector<1x16xf32>
        tpu.vector_store %arg8[%swap3A_104, %swap3A_105], %swap3A_108 {strides = array<i32>} : memref<128x128xf32, #tpu.memory_space<vmem>>, vector<1x16xf32>,
        %get3A_109 = arith.index_cast %scan3A_77 : i32 to index
        %get3A_110 = arith.constant 32 : index
        %get3A_111 = tpu.vector_load %arg8[%get3A_109, %get3A_110] {strides = array<i32>} : memref<128x128xf32, #tpu.memory_space<vmem>>, vector<1x16xf32>,
        %get3A_112 = vector.shape_cast %get3A_111 : vector<1x16xf32> to vector<16xf32>
        %div3A_113 = arith.divf %get3A_112, %max3A_86 : vector<16xf32>
        %jit3A_114 = arith.constant 0.000000e+00 : f32
        %broadcast_in_dim3A_115 = vector.broadcast %jit3A_114 : f32 to vector<16xf32>
        %select_n3A_116 = arith.select %gt3A_84, %div3A_113, %broadcast_in_dim3A_115 : vector<16xi1>, vector<16xf32>
        %swap3A_117 = arith.index_cast %scan3A_77 : i32 to index
        %swap3A_118 = arith.constant 32 : index
        %swap3A_119 = tpu.vector_load %arg8[%swap3A_117, %swap3A_118] {strides = array<i32>} : memref<128x128xf32, #tpu.memory_space<vmem>>, vector<1x16xf32>,
        %swap3A_120 = vector.shape_cast %swap3A_119 : vector<1x16xf32> to vector<16xf32>
        %swap3A_121 = vector.shape_cast %select_n3A_116 : vector<16xf32> to vector<1x16xf32>
        tpu.vector_store %arg8[%swap3A_117, %swap3A_118], %swap3A_121 {strides = array<i32>} : memref<128x128xf32, #tpu.memory_space<vmem>>, vector<1x16xf32>,
        %get3A_122 = arith.index_cast %scan3A_77 : i32 to index
        %get3A_123 = arith.constant 48 : index
        %get3A_124 = tpu.vector_load %arg8[%get3A_122, %get3A_123] {strides = array<i32>} : memref<128x128xf32, #tpu.memory_space<vmem>>, vector<1x16xf32>,
        %get3A_125 = vector.shape_cast %get3A_124 : vector<1x16xf32> to vector<16xf32>
        %div3A_126 = arith.divf %get3A_125, %max3A_86 : vector<16xf32>
        %jit3A_127 = arith.constant 0.000000e+00 : f32
        %broadcast_in_dim3A_128 = vector.broadcast %jit3A_127 : f32 to vector<16xf32>
        %select_n3A_129 = arith.select %gt3A_84, %div3A_126, %broadcast_in_dim3A_128 : vector<16xi1>, vector<16xf32>
        %swap3A_130 = arith.index_cast %scan3A_77 : i32 to index
        %swap3A_131 = arith.constant 48 : index
        %swap3A_132 = tpu.vector_load %arg8[%swap3A_130, %swap3A_131] {strides = array<i32>} : memref<128x128xf32, #tpu.memory_space<vmem>>, vector<1x16xf32>,
        %swap3A_133 = vector.shape_cast %swap3A_132 : vector<1x16xf32> to vector<16xf32>
        %swap3A_134 = vector.shape_cast %select_n3A_129 : vector<16xf32> to vector<1x16xf32>
        tpu.vector_store %arg8[%swap3A_130, %swap3A_131], %swap3A_134 {strides = array<i32>} : memref<128x128xf32, #tpu.memory_space<vmem>>, vector<1x16xf32>,
        %get3A_135 = arith.index_cast %scan3A_77 : i32 to index
        %get3A_136 = arith.constant 64 : index
        %get3A_137 = tpu.vector_load %arg8[%get3A_135, %get3A_136] {strides = array<i32>} : memref<128x128xf32, #tpu.memory_space<vmem>>, vector<1x16xf32>,
        %get3A_138 = vector.shape_cast %get3A_137 : vector<1x16xf32> to vector<16xf32>
        %div3A_139 = arith.divf %get3A_138, %max3A_86 : vector<16xf32>
        %jit3A_140 = arith.constant 0.000000e+00 : f32
        %broadcast_in_dim3A_141 = vector.broadcast %jit3A_140 : f32 to vector<16xf32>
        %select_n3A_142 = arith.select %gt3A_84, %div3A_139, %broadcast_in_dim3A_141 : vector<16xi1>, vector<16xf32>
        %swap3A_143 = arith.index_cast %scan3A_77 : i32 to index
        %swap3A_144 = arith.constant 64 : index
        %swap3A_145 = tpu.vector_load %arg8[%swap3A_143, %swap3A_144] {strides = array<i32>} : memref<128x128xf32, #tpu.memory_space<vmem>>, vector<1x16xf32>,
        %swap3A_146 = vector.shape_cast %swap3A_145 : vector<1x16xf32> to vector<16xf32>
        %swap3A_147 = vector.shape_cast %select_n3A_142 : vector<16xf32> to vector<1x16xf32>
        tpu.vector_store %arg8[%swap3A_143, %swap3A_144], %swap3A_147 {strides = array<i32>} : memref<128x128xf32, #tpu.memory_space<vmem>>, vector<1x16xf32>,
        %get3A_148 = arith.index_cast %scan3A_77 : i32 to index
        %get3A_149 = arith.constant 80 : index
        %get3A_150 = tpu.vector_load %arg8[%get3A_148, %get3A_149] {strides = array<i32>} : memref<128x128xf32, #tpu.memory_space<vmem>>, vector<1x16xf32>,
        %get3A_151 = vector.shape_cast %get3A_150 : vector<1x16xf32> to vector<16xf32>
        %div3A_152 = arith.divf %get3A_151, %max3A_86 : vector<16xf32>
        %jit3A_153 = arith.constant 0.000000e+00 : f32
        %broadcast_in_dim3A_154 = vector.broadcast %jit3A_153 : f32 to vector<16xf32>
        %select_n3A_155 = arith.select %gt3A_84, %div3A_152, %broadcast_in_dim3A_154 : vector<16xi1>, vector<16xf32>
        %swap3A_156 = arith.index_cast %scan3A_77 : i32 to index
        %swap3A_157 = arith.constant 80 : index
        %swap3A_158 = tpu.vector_load %arg8[%swap3A_156, %swap3A_157] {strides = array<i32>} : memref<128x128xf32, #tpu.memory_space<vmem>>, vector<1x16xf32>,
        %swap3A_159 = vector.shape_cast %swap3A_158 : vector<1x16xf32> to vector<16xf32>
        %swap3A_160 = vector.shape_cast %select_n3A_155 : vector<16xf32> to vector<1x16xf32>
        tpu.vector_store %arg8[%swap3A_156, %swap3A_157], %swap3A_160 {strides = array<i32>} : memref<128x128xf32, #tpu.memory_space<vmem>>, vector<1x16xf32>,
        %get3A_161 = arith.index_cast %scan3A_77 : i32 to index
        %get3A_162 = arith.constant 96 : index
        %get3A_163 = tpu.vector_load %arg8[%get3A_161, %get3A_162] {strides = array<i32>} : memref<128x128xf32, #tpu.memory_space<vmem>>, vector<1x16xf32>,
        %get3A_164 = vector.shape_cast %get3A_163 : vector<1x16xf32> to vector<16xf32>
        %div3A_165 = arith.divf %get3A_164, %max3A_86 : vector<16xf32>
        %jit3A_166 = arith.constant 0.000000e+00 : f32
        %broadcast_in_dim3A_167 = vector.broadcast %jit3A_166 : f32 to vector<16xf32>
        %select_n3A_168 = arith.select %gt3A_84, %div3A_165, %broadcast_in_dim3A_167 : vector<16xi1>, vector<16xf32>
        %swap3A_169 = arith.index_cast %scan3A_77 : i32 to index
        %swap3A_170 = arith.constant 96 : index
        %swap3A_171 = tpu.vector_load %arg8[%swap3A_169, %swap3A_170] {strides = array<i32>} : memref<128x128xf32, #tpu.memory_space<vmem>>, vector<1x16xf32>,
        %swap3A_172 = vector.shape_cast %swap3A_171 : vector<1x16xf32> to vector<16xf32>
        %swap3A_173 = vector.shape_cast %select_n3A_168 : vector<16xf32> to vector<1x16xf32>
        tpu.vector_store %arg8[%swap3A_169, %swap3A_170], %swap3A_173 {strides = array<i32>} : memref<128x128xf32, #tpu.memory_space<vmem>>, vector<1x16xf32>,
        %get3A_174 = arith.index_cast %scan3A_77 : i32 to index
        %get3A_175 = arith.constant 112 : index
        %get3A_176 = tpu.vector_load %arg8[%get3A_174, %get3A_175] {strides = array<i32>} : memref<128x128xf32, #tpu.memory_space<vmem>>, vector<1x16xf32>,
        %get3A_177 = vector.shape_cast %get3A_176 : vector<1x16xf32> to vector<16xf32>
        %div3A_178 = arith.divf %get3A_177, %max3A_86 : vector<16xf32>
        %jit3A_179 = arith.constant 0.000000e+00 : f32
        %broadcast_in_dim3A_180 = vector.broadcast %jit3A_179 : f32 to vector<16xf32>
        %select_n3A_181 = arith.select %gt3A_84, %div3A_178, %broadcast_in_dim3A_180 : vector<16xi1>, vector<16xf32>
        %swap3A_182 = arith.index_cast %scan3A_77 : i32 to index
        %swap3A_183 = arith.constant 112 : index
        %swap3A_184 = tpu.vector_load %arg8[%swap3A_182, %swap3A_183] {strides = array<i32>} : memref<128x128xf32, #tpu.memory_space<vmem>>, vector<1x16xf32>,
        %swap3A_185 = vector.shape_cast %swap3A_184 : vector<1x16xf32> to vector<16xf32>
        %swap3A_186 = vector.shape_cast %select_n3A_181 : vector<16xf32> to vector<1x16xf32>
        tpu.vector_store %arg8[%swap3A_182, %swap3A_183], %swap3A_186 {strides = array<i32>} : memref<128x128xf32, #tpu.memory_space<vmem>>, vector<1x16xf32>,
        %scan3A_187 = arith.constant 0 : i32
        scf.yield %scan3A_187 : i32
      }
      %scan3A_72 = arith.constant 64 : i32
      %mul3A_73 = arith.constant 5120 : i32
      %mul3A_74 = arith.muli %arg0, %mul3A_73 : i32
      %add3A_75 = arith.addi %mul3A_74, %add3A_65 : i32
      "tpu.region"() ({
        %run_scoped3A = tpu.sem_alloc : memref<!tpu.dma_semaphore, #tpu.memory_space<semaphore_mem>>
        %dma_start3A = arith.constant 0 : i32
        %dma_start3A_77 = arith.constant 0 : i32
        %dma_start3A_78 = tpu.memref_slice %arg8[%dma_start3A, %dma_start3A_77] : memref<128x128xf32, #tpu.memory_space<vmem>> -> memref<64x128xf32, #tpu.memory_space<vmem>>
        %dma_start3A_79 = arith.constant 0 : i32
        %dma_start3A_80 = tpu.memref_slice %arg5[%add3A_75, %dma_start3A_79] : memref<10240x128xf32, #tpu.memory_space<hbm>> -> memref<64x128xf32, #tpu.memory_space<hbm>>
        %dma_start3A_81 = arith.constant 0 : i32
        %dma_start3A_82 = tpu.memref_slice %arg5[%add3A_75, %dma_start3A_81] : memref<10240x128xf32, #tpu.memory_space<hbm>> -> memref<64x128xf32, #tpu.memory_space<hbm>>
        %dma_start3A_83 = arith.constant 0 : i32
        %dma_start3A_84 = arith.constant 0 : i32
        %dma_start3A_85 = tpu.memref_slice %arg8[%dma_start3A_83, %dma_start3A_84] : memref<128x128xf32, #tpu.memory_space<vmem>> -> memref<64x128xf32, #tpu.memory_space<vmem>>
        tpu.enqueue_dma source(%dma_start3A_85 : memref<64x128xf32, #tpu.memory_space<vmem>>) target(%dma_start3A_82 : memref<64x128xf32, #tpu.memory_space<hbm>>) target_semaphore(%run_scoped3A : memref<!tpu.dma_semaphore, #tpu.memory_space<semaphore_mem>>)
        %dma_wait3A = arith.constant 0 : i32
        %dma_wait3A_86 = arith.constant 0 : i32
        %dma_wait3A_87 = tpu.memref_slice %arg8[%dma_wait3A, %dma_wait3A_86] : memref<128x128xf32, #tpu.memory_space<vmem>> -> memref<64x128xf32, #tpu.memory_space<vmem>>
        %dma_wait3A_88 = arith.constant 0 : i32
        %dma_wait3A_89 = tpu.memref_slice %arg5[%add3A_75, %dma_wait3A_88] : memref<10240x128xf32, #tpu.memory_space<hbm>> -> memref<64x128xf32, #tpu.memory_space<hbm>>
        %dma_wait3A_90 = arith.constant 0 : i32
        %dma_wait3A_91 = tpu.memref_slice %arg5[%add3A_75, %dma_wait3A_90] : memref<10240x128xf32, #tpu.memory_space<hbm>> -> memref<64x128xf32, #tpu.memory_space<hbm>>
        %dma_wait3A_92 = arith.constant 0 : i32
        %dma_wait3A_93 = arith.constant 0 : i32
        %dma_wait3A_94 = tpu.memref_slice %arg8[%dma_wait3A_92, %dma_wait3A_93] : memref<128x128xf32, #tpu.memory_space<vmem>> -> memref<64x128xf32, #tpu.memory_space<vmem>>
        tpu.wait_dma2 semaphore(%run_scoped3A : memref<!tpu.dma_semaphore, #tpu.memory_space<semaphore_mem>>) src(%dma_wait3A_94 : memref<64x128xf32, #tpu.memory_space<vmem>>) dst(%dma_wait3A_91 : memref<64x128xf32, #tpu.memory_space<hbm>>)
        tpu.yield
      }) : () -> ()
      %scan3A_76 = arith.constant 0 : i32
      scf.yield %scan3A_76 : i32
    }
    %scan3A_58 = arith.constant 5 : i32
    return
  }
}

</mosaic_0001>

<sc_bundles>
// kernel: kernel.3.cloned.1.call-start
scs
__scs_entry_jumppad:
0x0: {  	(pc) =	sbr.rel $0x88, $3  }
0x1: {  	(tag) =	ssettag $0x0;
	lr =	simm.s32 $0x1  }
0x2: {  	[smem:$0x3F9F] =	sst lr;
	_ =	strace $0xD0000000  }
0x3: {  	_ = 	snop  }
0x4: {  	_ = 	snop  }
0x5: {  	_ = 	snop  }
0x6: {  	_ = 	snop  }
0x7: {  	_ = 	snop  }
__scs_overlays_trampoline_lowered:
0x8: {  	[smem:$0x3FAE] =	sst s0  }
0x9: {  	[smem:$0x3FAF] =	sst s1  }
0xa: {  	[smem:$0x3FB0] =	sst s2  }
0xb: {  	[smem:$0x3FB1] =	sst s3  }
0xc: {  	[smem:$0x3FB2] =	sst s4  }
0xd: {  	[smem:$0x3FB3] =	sst s5  }
0xe: {  	[smem:$0x3FB4] =	sst s6  }
0xf: {  	[smem:$0x3FB5] =	sst s7  }
0x10: {  	[smem:$0x3FB6] =	sst s8  }
0x11: {  	[smem:$0x3FB7] =	sst s9;
	s0 =	simm.s32 @!p0 $0x0  }
0x12: {  	s1 =	sld [smem:$0x3F9D];
	s0 =	simm.s32 @p0 $0x1  }
0x13: {  	[smem:$0x3FB8] =	sst s0;
	s0 =	simm.s32 @!p1 $0x0  }
0x14: {  	s2 =	sld [smem:$0x3F9C];
	s0 =	simm.s32 @p1 $0x1  }
0x15: {  	[smem:$0x3FB9] =	sst s0;
	s0 =	simm.s32 @!p2 $0x0  }
0x16: {  	s3 =	sld [smem:$0x3FDB];
	s0 =	simm.s32 @p2 $0x1  }
0x17: {  	s4 =	simm.s32 $0x1BF5;
	[smem:$0x3FBB] =	sst s0  }
0x18: {  	s0 =	sld [smem:$0x3F9E];
	_ =	swait.ge [sflag:s4], $0x0  }
0x19: {  	s7 =	sld [smem:$0x3F9F]  }
0x1a: {  	s8 =	sadd.s32 $0xFFFFE003, lr  }
0x1b: {  	s9 =	sadd.s32 $0xFFFFFEF7, lr;
	s5 =	simm.s32 $0xFFFFFFFF;
	p2 =	slt.u32 s8, $0xFFFFF086  }
0x1c: {  	p1 =	slt.u32 s9, $0xF7A;
	s5 =	simm.s32 @!p2 $0x0  }
0x1d: {  	s5 =	simm.s32 @p1 $0x1;
	p0 =	seq.s32 s7, s2  }
0x1e: {  	s7 =	smul.u32 @!p0 $0xF7A, s2;
	p2 =	seq.s32 @!p0 s5, $0x0  }
0x1f: {  	s9 =	smul.u32 $0xF7A, s1;
	s8 =	simm.s32 @!p0 $0x1BF5;
	p2 =	por !p2, p0  }
0x20: {  	[sflag:s8] =	ssyncset.s32 @!p0 $0xFFFFF086;
	s6 =	sadd.s32 @!p0 s3, s7;
	s7 =	simm.s32 @!p0 $0x108  }
0x21: {  	s3 =	sadd.s32 s3, s9;
	s6 =	sadd.s32 @!p0 $0x88, s6;
	s7 =	simm.s32 @p2 $0x1082  }
0x22: {  	[simem:s7], [sflag:s8] =	dma.local @!p0 [hbm:s6], $0xF7A  }
0x23: {  	s9 =	sor.u32 $0xD0000000, s2;
	s6 =	simm.s32 $0x108;
	_ =	swait.ge @!p0 [sflag:s8], $0x0  }
0x24: {  	s3 =	sadd.s32 $0x88, s3;
	s6 =	simm.s32 @!p1 $0x1082;
	[sflag:s4] =	ssyncset.s32 $0xFFFFF086  }
0x25: {  	[simem:s6], [sflag:s4] =	dma.local [hbm:s3], $0xF7A  }
0x26: {  	[smem:$0x3F9F] =	sst s1;
	(tag) =	ssettag s2;
	_ =	strace s9  }
0x27: {  	s1 =	sld [smem:$0x3FAF]  }
0x28: {  	s2 =	sld [smem:$0x3FB0]  }
0x29: {  	s4 =	sld [smem:$0x3FB2]  }
0x2a: {  	p0 =	seq.s32 s5, $0x0;
	s5 =	sld [smem:$0x3FB3]  }
0x2b: {  	s6 =	sld [smem:$0x3FB4]  }
0x2c: {  	s7 =	sld [smem:$0x3FB5]  }
0x2d: {  	s3 =	simm.s32 $0x108;
	s8 =	sld [smem:$0x3FB6]  }
0x2e: {  	s3 =	simm.s32 @!p0 $0x1082;
	s9 =	sld [smem:$0x3FB7]  }
0x2f: {  	lr =	sadd.s32 s0, s3;
	s0 =	sld [smem:$0x3FAE]  }
0x30: {  	s3 =	sld [smem:$0x3FB1]  }
0x31: {  	[smem:$0x3FBA] =	sst s10  }
0x32: {  	s10 =	sld [smem:$0x3FB8];
	_ =	sdelay $0x3  }
0x33: {  	p0 =	seq.s32 s10, $0x1;
	s10 =	sld [smem:$0x3FBA];
	_ =	sdelay $0x3  }
0x34: {  	[smem:$0x3FBA] =	sst s10  }
0x35: {  	s10 =	sld [smem:$0x3FB9];
	_ =	sdelay $0x3  }
0x36: {  	p1 =	seq.s32 s10, $0x1;
	s10 =	sld [smem:$0x3FBA];
	_ =	sdelay $0x3  }
0x37: {  	[smem:$0x3FBA] =	sst s10  }
0x38: {  	s10 =	sld [smem:$0x3FBB]  }
0x39: {  	_ = 	snop;
	(pc) =	sbr.ind lr, $3  }
0x3a: {  	_ = 	snop  }
0x3b: {  	_ = 	snop  }
0x3c: {  	p2 =	seq.s32 s10, $0x1;
	s10 =	sld [smem:$0x3FBA]  }
0x3d: {  	_ =	shalt  }
0x3e: {  	_ =	shalt  }
0x3f: {  	_ =	shalt  }
0x40: {  	_ =	shalt  }
0x41: {  	_ =	shalt  }
0x42: {  	_ =	shalt  }
0x43: {  	_ =	shalt  }
0x44: {  	_ =	shalt  }
0x45: {  	_ =	shalt  }
0x46: {  	_ =	shalt  }
0x47: {  	_ =	shalt  }
0x48: {  	_ =	shalt  }
0x49: {  	_ =	shalt  }
0x4a: {  	_ =	shalt  }
0x4b: {  	_ =	shalt  }
0x4c: {  	_ =	shalt  }
0x4d: {  	_ =	shalt  }
0x4e: {  	_ =	shalt  }
0x4f: {  	_ =	shalt  }
0x50: {  	_ =	shalt  }
0x51: {  	_ =	shalt  }
0x52: {  	_ =	shalt  }
0x53: {  	_ =	shalt  }
0x54: {  	_ =	shalt  }
0x55: {  	_ =	shalt  }
0x56: {  	_ =	shalt  }
0x57: {  	_ =	shalt  }
0x58: {  	_ =	shalt  }
0x59: {  	_ =	shalt  }
0x5a: {  	_ =	shalt  }
0x5b: {  	_ =	shalt  }
0x5c: {  	_ =	shalt  }
0x5d: {  	_ =	shalt  }
0x5e: {  	_ =	shalt  }
0x5f: {  	_ =	shalt  }
0x60: {  	_ =	shalt  }
0x61: {  	_ =	shalt  }
0x62: {  	_ =	shalt  }
0x63: {  	_ =	shalt  }
0x64: {  	_ =	shalt  }
0x65: {  	_ =	shalt  }
0x66: {  	_ =	shalt  }
0x67: {  	_ =	shalt  }
0x68: {  	_ =	shalt  }
0x69: {  	_ =	shalt  }
0x6a: {  	_ =	shalt  }
0x6b: {  	_ =	shalt  }
0x6c: {  	_ =	shalt  }
0x6d: {  	_ =	shalt  }
0x6e: {  	_ =	shalt  }
0x6f: {  	_ =	shalt  }
0x70: {  	_ =	shalt  }
0x71: {  	_ =	shalt  }
0x72: {  	_ =	shalt  }
0x73: {  	_ =	shalt  }
0x74: {  	_ =	shalt  }
0x75: {  	_ =	shalt  }
0x76: {  	_ =	shalt  }
0x77: {  	_ =	shalt  }
0x78: {  	_ =	shalt  }
0x79: {  	_ =	shalt  }
0x7a: {  	_ =	shalt  }
0x7b: {  	_ =	shalt  }
0x7c: {  	_ =	shalt  }
0x7d: {  	_ =	shalt  }
0x7e: {  	_ =	shalt  }
0x7f: {  	_ =	shalt  }
0x80: {  	_ =	shalt  }
0x81: {  	_ =	shalt  }
0x82: {  	_ =	shalt  }
0x83: {  	_ =	shalt  }
0x84: {  	_ =	shalt  }
0x85: {  	_ =	shalt  }
0x86: {  	_ =	shalt  }
0x87: {  	_ =	shalt  }
.Lfunc_end0:
.L_simem_size_0:
called_computation_lowered:
.L_overlay_start_0:
0x88: {  	s2 =	sld [smem:$0x3FD9]  }
0x89: {  	s3 =	sld [smem:$0x3FFE];
	_ =	sdelay $0x1  }
0x8a: {  	s1 =	srdreg.scid  }
0x8b: {  	s0 =	sand.u32 $0x1, s1  }
0x8c: {  	s17 =	sshll.u32 s0, $0xA;
	s2 =	sadd.s32 s3, s2  }
0x8d: {  	s2 =	sadd.s32 s2, s17  }
0x8e: {  	[smem:$0x3FC6] =	sst s2  }
0x8f: {  	_ = 	snop  }
0x90: {  	s2 =	sld [smem:$0x3FC9]  }
0x91: {  	s18 =	sld [smem:$0x3FC8]  }
0x92: {  	s4 =	sld [smem:$0x3FD0];
	(tm) =	ssettm $0x1  }
0x93: {  	s5 =	sld [smem:$0x3FFB];
	_ =	sdelay $0x3  }
0x94: {  	_ =	strace s5  }
0x95: {  	s5 =	sld [smem:$0x3FFC];
	_ =	sdelay $0x3  }
0x96: {  	_ =	strace s5  }
0x97: {  	s5 =	sld [smem:$0x3FFD];
	_ =	sdelay $0x3  }
0x98: {  	_ =	strace s5  }
0x99: {  	_ =	strace $0x8FFFFFFF  }
0x9a: {  	s19 =	sld [smem:$0x3FDB];
	_ =	sdelay $0x1  }
0x9b: {  	s6 =	simm.s32 $_scs_section_size  }
0x9c: {  	s7 =	simm.s32 $_size__tile_overlayer_lowered;
	s8 =	simm.s32 $_tile_overlayer_lowered  }
0x9d: {  	s22 =	simm.s32 $0x1BFF;
	s21 =	sshll.u32 s8, $0x1;
	s5 =	sadd.s32 s6, s19  }
0x9e: {  	s9 =	simm.s32 $0x0;
	s20 =	sshll.u32 s7, $0x1;
	s7 =	sadd.s32 s21, s5  }
0x9f: {  	[timem:s9], [sflag:s22] =	dma.local [hbm:s7], s20  }
0xa0: {  	_ =	swait.ge [sflag:s22], s20  }
0xa1: {  	s6 =	ssub.s32 $0x0, s20;
	[sflag:s22] =	ssyncset.done $0x0  }
0xa2: {  	[sflag:s22] =	ssyncadd.s32 s6;
	_ =	sdelay $0x1  }
0xa3: {  	s23 =	simm.s32 $0x1B8B  }
0xa4: {  	_ =	swait.ge [sflag:s23], $0x1  }
0xa5: {  	[sflag:s23] =	ssyncset.done $0x0  }
0xa6: {  	s25 =	simm.s32 $0x1B8E;
	s24 =	sld [smem:$0x3FFE];
	[sflag:s23] =	ssyncadd.s32 $0xFFFFFFFF  }
0xa7: {  	s26 =	simm.s32 $execute0_lowered;
	[smem:$0x3FD2] =	sst s25  }
0xa8: {  	s7 =	sshll.u32 s26, $0x1;
	_ =	strace $0x80000046;
	[dreg:$0x1] =	wrdreg $0xFFFFFFFF  }
0xa9: {  	s28 =	simm.s32 $_size_execute0_lowered;
	s5 =	sadd.s32 s5, s7;
	[dreg:$0x0] =	wrdreg $0x0  }
0xaa: {  	s7 =	sshll.u32 s28, $0x1;
	[dreg:$0x2] =	wrdreg s5  }
0xab: {  	[dreg:$0x3] =	wrdreg s7  }
0xac: {  	[dreg:$0x4] =	wrdreg $0xC0  }
0xad: {  	_ =	task [dreg:s9], $0x5FFFF  }
0xae: {  	[dreg:$0x1] =	wrdreg $0xFFFFFFFF  }
0xaf: {  	[dreg:$0x0] =	wrdreg $0x60  }
0xb0: {  	[dreg:$0x2] =	wrdreg s2  }
0xb1: {  	[dreg:$0x3] =	wrdreg s18  }
0xb2: {  	[dreg:$0x4] =	wrdreg s4  }
0xb3: {  	[dreg:$0x5] =	wrdreg s24  }
0xb4: {  	[dreg:$0x6] =	wrdreg $0x0  }
0xb5: {  	[dreg:$0x7] =	wrdreg $0xA0400  }
0xb6: {  	[dreg:$0x8] =	wrdreg $0x9  }
0xb7: {  	_ =	task.clear_ibuf [dreg:s9], $0x9FFFF;
	_ =	strace $0x90000046  }
0xb8: {  	s29 =	simm.s32 $0x9;
	_ =	strace $0x80000048  }
0xb9: {  	_ =	swait.ge [sflag:s29], $0x1  }
0xba: {  	[sflag:s29] =	ssyncadd.s32 $0xFFFFFFFF  }
0xbb: {  	_ =	strace $0x90000048  }
0xbc: {  	_ =	sfence  }
0xbd: {  	s30 =	sld [smem:$0x0];
	_ =	sdelay $0x2  }
0xbe: {  	s31 =	sshll.u32 s1, $0xD;
	s1 =	sshrl.u32 s1, $0x2  }
0xbf: {  	s3 =	sand.u32 $0x4000, s31;
	s1 =	sadd.s32 s1, s30  }
0xc0: {  	s0 =	sor.u32 s3, s0;
	s1 =	sshll.u32 s1, $0x11  }
0xc1: {  	s0 =	sor.u32 s1, s0  }
0xc2: {  	s0 =	sadd.s32 $0x8F2B, s0  }
0xc3: {  	[sflag:s0] =	ssyncadd.remote.s32 $0x1  }
0xc4: {  	_ =	sfence.sel $0xFFFF  }
0xc5: {  	[dreg:$0x0] =	wrdreg $0xFFFFFFFF;
	(pc) =	sbr.abs _section_cstart, $3  }
0xc6: {  	[dreg:$0x1] =	wrdreg $0xFFFFFFFF  }
0xc7: {  	_ =	task.clear_ibuf [dreg:s9], $0x2FFFF;
	_ =	strace $0x9FFFFFFF  }
0xc8: {  	(tm) =	ssettm $0x7FFFFFFF  }
0xc9: {  	_ =	shalt  }
tec
execute0_lowered:
.L_overlay_start_1:
0x0: {  	(tag) =	ssettag $0x1  }
0x1: {  	s0 =	rddreg [dreg:$0x0]  }
0x2: {  	s2 =	rddreg [dreg:$0x1]  }
0x3: {  	s1 =	rddreg [dreg:$0x3]  }
0x4: {  	s4 =	rddreg [dreg:$0x4]  }
0x5: {  	s5 =	rddreg [dreg:$0x5];
	s6 =	simm.s32 $0x0;
	s3 =	srdreg.scid  }
0x6: {  	s9 =	stileid.u32;
	s29 =	simm.s32 $0x4;
	s30 =	simm.s32 $0x14080  }
0x7: {  	s31 =	simm.s32 $0x1E080;
	s28 =	simm.s32 $0x1E100;
	[smem:$0x7FF] =	sst s6  }
0x8: {  	s3 =	sand.u32 $0x1, s3;
	s7 =	sadd.s32 $0x600, s1;
	s11 =	smul.u32 $0xA000, s9  }
0x9: {  	s12 =	sadd.s32 $0xA0000, s5;
	p0 =	sne.s32 s9, $0x0;
	s26 =	sshll.u32 s9, $0xB  }
0xa: {  	_ =	strace $0x80000047;
	s8 =	ssub.s32 $0x2, s3;
	[dreg:$0x8] =	wrdreg s12  }
0xb: {  	s13 =	sshll.u32 s3, $0x8;
	s12 =	smul.u32 $0x1400, s3;
	[dreg:$0x15] =	wrdreg s26  }
0xc: {  	s3 =	simm.s32 $0x40;
	s10 =	sshrl.u32 s8, $0x1;
	[dreg:$0x9] =	wrdreg s13  }
0xd: {  	s13 =	smul.u32 $0x140, s9;
	s14 =	sadd.s32 s11, s4;
	s15 =	sadd.s32 s11, s5  }
0xe: {  	s16 =	sadd.s32 $0x2000, s11;
	s17 =	sadd.s32 $0x4000, s11;
	[dreg:$0xb] =	wrdreg s14  }
0xf: {  	s1 =	ssub.s32 s8, s10;
	s10 =	sadd.s32 $0xA0000, s4;
	[dreg:$0xc] =	wrdreg s15  }
0x10: {  	s21 =	sadd.s32 $0x6000, s11;
	s18 =	sadd.s32 s16, s4;
	[dreg:$0x7] =	wrdreg s10  }
0x11: {  	s22 =	sadd.s32 $0x8000, s11;
	s19 =	sadd.s32 s17, s4;
	[dreg:$0xd] =	wrdreg s18  }
0x12: {  	s20 =	sadd.s32 s17, s5;
	s23 =	sadd.s32 s21, s4;
	[dreg:$0xf] =	wrdreg s19  }
0x13: {  	s24 =	sadd.s32 s22, s4;
	s25 =	sadd.s32 s22, s5;
	[dreg:$0x10] =	wrdreg s20  }
0x14: {  	s8 =	simm.s32 $0x1C080;
	s14 =	simm.s32 $0x3;
	[dreg:$0x11] =	wrdreg s23  }
0x15: {  	s15 =	simm.s32 $0x2;
	s17 =	simm.s32 $0x0;
	[dreg:$0x13] =	wrdreg s24  }
0x16: {  	s1 =	smax.u32 s1, $0x1;
	[dreg:$0x14] =	wrdreg s25;
	s25 =	sshll.u32 s9, $0x4  }
0x17: {  	s9 =	simm.s32 $0x1E180;
	[dreg:$0xa] =	wrdreg s1;
	s1 =	sadd.s32 s16, s5  }
0x18: {  	s10 =	simm.s32 $0x80;
	[dreg:$0xe] =	wrdreg s1;
	s1 =	sadd.s32 s21, s5  }
0x19: {  	v1 =	vimm.f32 $0.0e+00;
	v2 =	vimm.f32 $1.000000000e+00;
	v0 =	vmov s12;
	s16 =	simm.s32 $0x18080;
	[dreg:$0x12] =	wrdreg s1;
	s1 =	simm.s32 $0x1  }
.LBB2_1:
0x1a: {  	s11 =	rddreg [dreg:$0x2];
	s18 =	simm.s32 $0x1E200  }
0x1b: {  	[tilespmem:s18], [sflag:$0x4] =	stream.linear.gather [hbm4b:s11+s6], $0x200, $0x38;
	[tilespmem:$0x1E400] =	vst v63  }
0x1c: {  	_ =	swait.ge [sflag:s29], $0x200  }
0x1d: {  	[sflag:s29] =	ssyncset.done $0x0  }
0x1e: {  	s19 =	simm.s32 $0x0;
	s18 =	simm.s32 $0x0;
	[sflag:s29] =	ssyncadd.s32 $0xFFFFFE00  }
.LBB2_2:
0x1f: {  	p1 =	sne.s32 s19, $0xFFC0  }
.Ltmp0:
0x20: {  	_ = 	snop;
	(pc) =	sbr.rel @p1 .LBB2_2-.Ltmp0, $4  }
0x21: {  	s20 =	sand.u32 $0xFE00, s19  }
0x22: {  	s21 =	sand.u32 $0x70, s18;
	s20 =	sshrl.u32 s20, $0x2  }
0x23: {  	s20 =	sor.u32 s21, s20  }
0x24: {  	s18 =	sadd.s32 $0x10, s18;
	s19 =	sadd.s32 $0x40, s19;
	[tilespmem:s20+$0x14080] =	vst v1  }
0x25: {  	s18 =	simm.s32 $0x0  }
0x26: {  	s19 =	sand.u32 $0x7E00, s18  }
0x27: {  	s20 =	sand.u32 $0x70, s18;
	s21 =	sshrl.u32 s19, $0x2  }
0x28: {  	s19 =	simm.s32 $0x40;
	s20 =	sor.u32 s20, s21  }
.LBB2_4:
0x29: {  	p1 =	sne.s32 s19, $0x7FC0  }
0x2a: {  	[tilespmem:s20+$0x1C080] =	vst v2;
	s18 =	sadd.s32 $0x10, s18;
	s20 =	smov.u32 s19;
	s19 =	sadd.s32 $0x40, s19  }
.Ltmp1:
0x2b: {  	(pc) =	sbr.rel @p1 .LBB2_4-.Ltmp1, $4  }
0x2c: {  	_ = 	snop  }
0x2d: {  	s20 =	sand.u32 $0x7E00, s20  }
0x2e: {  	s21 =	sand.u32 $0x70, s18;
	s20 =	sshrl.u32 s20, $0x2  }
0x2f: {  	s20 =	sor.u32 s21, s20  }
0x30: {  	[tilespmem:s20+$0x1C080] =	vst v2;
	s11 =	rddreg [dreg:$0xb]  }
0x31: {  	[spmem:s11] =	stream.linear.scatter [tilespmem:s30], [sflag:$0x4], $0x2000, $0x38;
	[tilespmem:$0x1E400] =	vst v63  }
0x32: {  	_ =	swait.ge [sflag:s29], $0x2000  }
0x33: {  	[sflag:s29] =	ssyncset.done $0x0  }
0x34: {  	s23 =	rddreg [dreg:$0xc];
	[sflag:s29] =	ssyncadd.s32 $0xFFFFE000  }
0x35: {  	[spmem:s23] =	stream.linear.scatter [tilespmem:s30], [sflag:$0x4], $0x2000, $0x38;
	[tilespmem:$0x1E400] =	vst v63  }
0x36: {  	_ =	swait.ge [sflag:s29], $0x2000  }
0x37: {  	[sflag:s29] =	ssyncset.done $0x0  }
0x38: {  	s24 =	rddreg [dreg:$0xd];
	[sflag:s29] =	ssyncadd.s32 $0xFFFFE000  }
0x39: {  	[spmem:s24] =	stream.linear.scatter [tilespmem:s30], [sflag:$0x4], $0x2000, $0x38;
	[tilespmem:$0x1E400] =	vst v63  }
0x3a: {  	_ =	swait.ge [sflag:s29], $0x2000  }
0x3b: {  	[sflag:s29] =	ssyncset.done $0x0  }
0x3c: {  	s26 =	rddreg [dreg:$0xe];
	[sflag:s29] =	ssyncadd.s32 $0xFFFFE000  }
0x3d: {  	[spmem:s26] =	stream.linear.scatter [tilespmem:s30], [sflag:$0x4], $0x2000, $0x38;
	[tilespmem:$0x1E400] =	vst v63  }
0x3e: {  	_ =	swait.ge [sflag:s29], $0x2000  }
0x3f: {  	[sflag:s29] =	ssyncset.done $0x0  }
0x40: {  	s18 =	rddreg [dreg:$0xf];
	[sflag:s29] =	ssyncadd.s32 $0xFFFFE000  }
0x41: {  	[spmem:s18] =	stream.linear.scatter [tilespmem:s30], [sflag:$0x4], $0x2000, $0x38;
	[tilespmem:$0x1E400] =	vst v63  }
0x42: {  	_ =	swait.ge [sflag:s29], $0x2000  }
0x43: {  	[sflag:s29] =	ssyncset.done $0x0  }
0x44: {  	s19 =	rddreg [dreg:$0x10];
	[sflag:s29] =	ssyncadd.s32 $0xFFFFE000  }
0x45: {  	[spmem:s19] =	stream.linear.scatter [tilespmem:s30], [sflag:$0x4], $0x2000, $0x38;
	[tilespmem:$0x1E400] =	vst v63  }
0x46: {  	_ =	swait.ge [sflag:s29], $0x2000  }
0x47: {  	[sflag:s29] =	ssyncset.done $0x0  }
0x48: {  	s20 =	rddreg [dreg:$0x11];
	[sflag:s29] =	ssyncadd.s32 $0xFFFFE000  }
0x49: {  	[spmem:s20] =	stream.linear.scatter [tilespmem:s30], [sflag:$0x4], $0x2000, $0x38;
	[tilespmem:$0x1E400] =	vst v63  }
0x4a: {  	_ =	swait.ge [sflag:s29], $0x2000  }
0x4b: {  	[sflag:s29] =	ssyncset.done $0x0  }
0x4c: {  	s21 =	rddreg [dreg:$0x12];
	[sflag:s29] =	ssyncadd.s32 $0xFFFFE000  }
0x4d: {  	[spmem:s21] =	stream.linear.scatter [tilespmem:s30], [sflag:$0x4], $0x2000, $0x38;
	[tilespmem:$0x1E400] =	vst v63  }
0x4e: {  	_ =	swait.ge [sflag:s29], $0x2000  }
0x4f: {  	[sflag:s29] =	ssyncset.done $0x0  }
0x50: {  	s22 =	rddreg [dreg:$0x13];
	[sflag:s29] =	ssyncadd.s32 $0xFFFFE000  }
0x51: {  	[spmem:s22] =	stream.linear.scatter [tilespmem:s30], [sflag:$0x4], $0x2000, $0x38;
	[tilespmem:$0x1E400] =	vst v63  }
0x52: {  	_ =	swait.ge [sflag:s29], $0x2000  }
0x53: {  	[sflag:s29] =	ssyncset.done $0x0  }
0x54: {  	s23 =	rddreg [dreg:$0x14];
	[sflag:s29] =	ssyncadd.s32 $0xFFFFE000  }
0x55: {  	[spmem:s23] =	stream.linear.scatter [tilespmem:s30], [sflag:$0x4], $0x2000, $0x38;
	[tilespmem:$0x1E400] =	vst v63  }
0x56: {  	_ =	swait.ge [sflag:s29], $0x2000  }
0x57: {  	s18 =	simm.s32 @!p0 $0x14080;
	[sflag:s29] =	ssyncset.done $0x0  }
0x58: {  	s19 =	simm.s32 @!p0 $0x4;
	s11 =	rddreg [dreg:$0x7];
	[sflag:s29] =	ssyncadd.s32 $0xFFFFE000  }
0x59: {  	[spmem:s11] =	stream.linear.scatter @!p0 [tilespmem:s18], [sflag:$0x4], $0x400, $0x38;
	[tilespmem:$0x1E400] =	vst v63  }
0x5a: {  	_ =	swait.ge @!p0 [sflag:s19], $0x400  }
0x5b: {  	[sflag:s19] =	ssyncset.done @!p0 $0x0  }
0x5c: {  	s11 =	rddreg [dreg:$0x8];
	[sflag:s19] =	ssyncadd.s32 @!p0 $0xFFFFFC00  }
0x5d: {  	[spmem:s11] =	stream.linear.scatter @!p0 [tilespmem:s18], [sflag:$0x4], $0x400, $0x38;
	[tilespmem:$0x1E400] =	vst v63  }
0x5e: {  	_ =	swait.ge @!p0 [sflag:s19], $0x400  }
0x5f: {  	[sflag:s19] =	ssyncset.done @!p0 $0x0  }
0x60: {  	[sflag:s19] =	ssyncadd.s32 @!p0 $0xFFFFFC00  }
0x61: {  	[bflag:$0x0] =	sbarrier.arrive $0xFFFF  }
0x62: {  	s24 =	rddreg [dreg:$0x9]  }
0x63: {  	v3 =	vld [tilespmem:s24+$0x1E200]  }
0x64: {  	v4 =	vld [tilespmem:s24+$0x1E280];
	_ =	sdelay $0x3  }
0x65: {  	(v2sf) =	vpush v3, $0x0  }
0x66: {  	(v2sf) =	vpush v4, $0x0;
	_ =	sdelay $0xd  }
0x67: {  	s23 =	stileid.u32;
	s26 =	spop (v2sf)  }
0x68: {  	s18 =	spop (v2sf);
	s19 =	sadd.s32 s23, s26  }
0x69: {  	p1 =	sge.s32 s19, s18  }
.Ltmp2:
0x6a: {  	s24 =	sshll.u32 s26, $0xB;
	s21 =	sshll.u32 @!p1 s19, $0xB;
	(pc) =	sbr.rel .LBB2_6-.Ltmp2, $4  }
0x6b: {  	s20 =	sshll.u32 s26, $0x4;
	s26 =	rddreg [dreg:$0x15];
	s21 =	sand.u32 @!p1 $0x1FFFF800, s21  }
0x6c: {  	s22 =	simm.s32 @!p1 $0x0;
	s23 =	simm.s32 @!p1 $0x14080;
	s21 =	sadd.s32 @!p1 s0, s21  }
0x6d: {  	[tilespmem:s23], [sflag:$0x1] =	stream.linear.gather @!p1 [hbm4b:s21+s22], $0x4000, $0x38;
	[tilespmem:$0x1E400] =	vst v63  }
0x6e: {  	s21 =	sadd.s32 s24, s26;
	s22 =	simm.s32 $0x0  }
.LBB2_10:
0x6f: {  	s22 =	sadd.s32 $0x20, s22  }
0x70: {  	p1 =	sne.s32 s22, $0x9E0  }
.Ltmp3:
0x71: {  	_ = 	snop;
	(pc) =	sbr.rel @!p1 .LBB2_11-.Ltmp3, $2  }
0x72: {  	_ =	sdelay $0x2  }
0x73: {  	s20 =	sadd.s32 $0x200, s20;
	s21 =	sadd.s32 $0x10000, s21  }
.LBB2_6:
0x74: {  	s24 =	sadd.s32 s22, s19  }
0x75: {  	s23 =	sadd.s32 $0x10, s24  }
0x76: {  	p2 =	sge.s32 s24, s18;
	p1 =	sge.s32 s23, s18  }
.Ltmp4:
0x77: {  	s23 =	sadd.s32 @!p1 $0x8000, s21;
	(pc) =	sbr.rel @p2 .LBB2_8-.Ltmp4, $4  }
0x78: {  	s23 =	sand.u32 @!p1 $0x1FFFF800, s23  }
0x79: {  	s26 =	simm.s32 @!p1 $0x0;
	s11 =	simm.s32 @!p1 $0x18080;
	s23 =	sadd.s32 @!p1 s0, s23  }
0x7a: {  	[tilespmem:s11], [sflag:$0x2] =	stream.linear.gather @!p1 [hbm4b:s23+s26], $0x4000, $0x38;
	[tilespmem:$0x1E400] =	vst v63  }
0x7b: {  	s23 =	sadd.s32 s20, s25  }
0x7c: {  	s11 =	sand.u32 $0x1FFFFFF0, s23  }
0x7d: {  	s11 =	sadd.s32 s2, s11  }
0x7e: {  	[tilespmem:s31], [sflag:$0x4] =	stream.linear.gather [hbm4b:s11+s6], $0x80, $0x38;
	[tilespmem:$0x1E400] =	vst v63  }
0x7f: {  	_ =	swait.ge [sflag:s29], $0x80  }
0x80: {  	[sflag:s29] =	ssyncset.done $0x0  }
0x81: {  	[sflag:s29] =	ssyncadd.s32 $0xFFFFFF80  }
0x82: {  	v3 =	vld [tilespmem:$0x1E080];
	_ =	sdelay $0x1  }
0x83: {  	v4 =	vld [tilespmem:$0x1E090];
	_ =	sdelay $0x1  }
0x84: {  	v5 =	vld [tilespmem:$0x1E0A0]  }
0x85: {  	v3 =	vsub.s32 v3, v0  }
0x86: {  	v6 =	vld [tilespmem:$0x1E0B0];
	v3 =	vmin.u32 v3, $0x1400  }
0x87: {  	v4 =	vsub.s32 v4, v0;
	[tilespmem:$0x1E080] =	vst v3  }
0x88: {  	v59 =	vld [tilespmem:$0x1E0C0];
	[tilespmem:$0x1E100] =	vst v3;
	v3 =	vmin.u32 v4, $0x1400  }
0x89: {  	v5 =	vsub.s32 v5, v0;
	[tilespmem:$0x1E090] =	vst v3  }
0x8a: {  	v60 =	vld [tilespmem:$0x1E0D0];
	[tilespmem:$0x1E110] =	vst v3;
	v3 =	vmin.u32 v5, $0x1400  }
0x8b: {  	v6 =	vsub.s32 v6, v0;
	[tilespmem:$0x1E0A0] =	vst v3  }
0x8c: {  	v61 =	vld [tilespmem:$0x1E0E0];
	[tilespmem:$0x1E120] =	vst v3;
	v3 =	vmin.u32 v6, $0x1400  }
0x8d: {  	v4 =	vsub.s32 v59, v0;
	[tilespmem:$0x1E0B0] =	vst v3  }
0x8e: {  	v62 =	vld [tilespmem:$0x1E0F0];
	[tilespmem:$0x1E130] =	vst v3;
	v3 =	vmin.u32 v4, $0x1400  }
0x8f: {  	v5 =	vsub.s32 v60, v0;
	[tilespmem:$0x1E0C0] =	vst v3  }
0x90: {  	[tilespmem:$0x1E180] =	vst v3;
	v3 =	vmin.u32 v5, $0x1400  }
0x91: {  	v63 =	vsub.s32 v61, v0;
	[tilespmem:$0x1E0D0] =	vst v3  }
0x92: {  	[tilespmem:$0x1E190] =	vst v3;
	v3 =	vmin.u32 v63, $0x1400  }
0x93: {  	v4 =	vsub.s32 v62, v0;
	[tilespmem:$0x1E0E0] =	vst v3  }
0x94: {  	[tilespmem:$0x1E1A0] =	vst v3;
	v3 =	vmin.u32 v4, $0x1400  }
0x95: {  	[tilespmem:$0x1E0F0] =	vst v3  }
0x96: {  	[tilespmem:$0x1E1B0] =	vst v3  }
0x97: {  	_ =	swait.ge [sflag:s1], $0x4000  }
0x98: {  	[sflag:s1] =	ssyncset.done $0x0  }
0x99: {  	[sflag:s1] =	ssyncadd.s32 $0xFFFFC000  }
0x9a: {  	[spmem:s5] =	stream.indirect.scatter.add.f32 [tilespmem:s8], [sflag:$0x3], $0x80, s28, s3, $0xb8;
	[tilespmem:$0x1E400] =	vst v63  }
0x9b: {  	_ = 	snop  }
0x9c: {  	[spmem:s5] =	stream.indirect.scatter.add.f32 [tilespmem:s8], [sflag:$0x3], $0x80, s9, s3, $0xb8;
	[tilespmem:$0x1E400] =	vst v63  }
0x9d: {  	_ = 	snop  }
0x9e: {  	[spmem:s4] =	stream.indirect.scatter.add.f32 [tilespmem:s30], [sflag:$0x4], $0x80, s31, s10, $0xb8;
	[tilespmem:$0x1E400] =	vst v63  }
0x9f: {  	_ =	swait.ge [sflag:s29], $0x4000  }
0xa0: {  	[sflag:s29] =	ssyncset.done $0x0  }
0xa1: {  	[sflag:s29] =	ssyncadd.s32 $0xFFFFC000  }
0xa2: {  	_ =	swait.ge [sflag:s14], $0x2000  }
0xa3: {  	[sflag:s14] =	ssyncset.done $0x0  }
0xa4: {  	[sflag:s14] =	ssyncadd.s32 $0xFFFFE000  }
0xa5: {  	_ =	swait.ge [sflag:s14], $0x2000  }
0xa6: {  	[sflag:s14] =	ssyncset.done $0x0  }
0xa7: {  	[sflag:s14] =	ssyncadd.s32 $0xFFFFE000  }
.LBB2_8:
0xa8: {  	s11 =	sadd.s32 $0x20, s24  }
.Ltmp5:
0xa9: {  	p2 =	sge.s32 s11, s18;
	(pc) =	sbr.rel @p1 .LBB2_10-.Ltmp5, $4  }
0xaa: {  	s11 =	sadd.s32 @!p2 $0x10000, s21  }
0xab: {  	s11 =	sand.u32 @!p2 $0x1FFFF800, s11  }
0xac: {  	s24 =	simm.s32 @!p2 $0x0;
	s26 =	simm.s32 @!p2 $0x14080;
	s11 =	sadd.s32 @!p2 s0, s11  }
0xad: {  	[tilespmem:s26], [sflag:$0x1] =	stream.linear.gather @!p2 [hbm4b:s11+s24], $0x4000, $0x38;
	[tilespmem:$0x1E400] =	vst v63  }
0xae: {  	s11 =	sadd.s32 $0x100, s23  }
0xaf: {  	s11 =	sand.u32 $0x1FFFFFF0, s11  }
0xb0: {  	s11 =	sadd.s32 s2, s11  }
0xb1: {  	[tilespmem:s31], [sflag:$0x4] =	stream.linear.gather [hbm4b:s11+s6], $0x80, $0x38;
	[tilespmem:$0x1E400] =	vst v63  }
0xb2: {  	_ =	swait.ge [sflag:s29], $0x80  }
0xb3: {  	[sflag:s29] =	ssyncset.done $0x0  }
0xb4: {  	[sflag:s29] =	ssyncadd.s32 $0xFFFFFF80  }
0xb5: {  	v3 =	vld [tilespmem:$0x1E080];
	_ =	sdelay $0x1  }
0xb6: {  	v4 =	vld [tilespmem:$0x1E090];
	_ =	sdelay $0x1  }
0xb7: {  	v5 =	vld [tilespmem:$0x1E0A0]  }
0xb8: {  	v3 =	vsub.s32 v3, v0  }
0xb9: {  	v6 =	vld [tilespmem:$0x1E0B0];
	v3 =	vmin.u32 v3, $0x1400  }
0xba: {  	v4 =	vsub.s32 v4, v0;
	[tilespmem:$0x1E080] =	vst v3  }
0xbb: {  	v59 =	vld [tilespmem:$0x1E0C0];
	[tilespmem:$0x1E100] =	vst v3;
	v3 =	vmin.u32 v4, $0x1400  }
0xbc: {  	v5 =	vsub.s32 v5, v0;
	[tilespmem:$0x1E090] =	vst v3  }
0xbd: {  	v60 =	vld [tilespmem:$0x1E0D0];
	[tilespmem:$0x1E110] =	vst v3;
	v3 =	vmin.u32 v5, $0x1400  }
0xbe: {  	v6 =	vsub.s32 v6, v0;
	[tilespmem:$0x1E0A0] =	vst v3  }
0xbf: {  	v61 =	vld [tilespmem:$0x1E0E0];
	[tilespmem:$0x1E120] =	vst v3;
	v3 =	vmin.u32 v6, $0x1400  }
0xc0: {  	v4 =	vsub.s32 v59, v0;
	[tilespmem:$0x1E0B0] =	vst v3  }
0xc1: {  	v62 =	vld [tilespmem:$0x1E0F0];
	[tilespmem:$0x1E130] =	vst v3;
	v3 =	vmin.u32 v4, $0x1400  }
0xc2: {  	v5 =	vsub.s32 v60, v0;
	[tilespmem:$0x1E0C0] =	vst v3  }
0xc3: {  	[tilespmem:$0x1E180] =	vst v3;
	v3 =	vmin.u32 v5, $0x1400  }
0xc4: {  	v63 =	vsub.s32 v61, v0;
	[tilespmem:$0x1E0D0] =	vst v3  }
0xc5: {  	[tilespmem:$0x1E190] =	vst v3;
	v3 =	vmin.u32 v63, $0x1400  }
0xc6: {  	v4 =	vsub.s32 v62, v0;
	[tilespmem:$0x1E0E0] =	vst v3  }
0xc7: {  	[tilespmem:$0x1E1A0] =	vst v3;
	v3 =	vmin.u32 v4, $0x1400  }
0xc8: {  	[tilespmem:$0x1E0F0] =	vst v3  }
0xc9: {  	[tilespmem:$0x1E1B0] =	vst v3  }
0xca: {  	_ =	swait.ge [sflag:s15], $0x4000  }
0xcb: {  	[sflag:s15] =	ssyncset.done $0x0  }
0xcc: {  	[sflag:s15] =	ssyncadd.s32 $0xFFFFC000  }
0xcd: {  	[spmem:s5] =	stream.indirect.scatter.add.f32 [tilespmem:s8], [sflag:$0x3], $0x80, s28, s3, $0xb8;
	[tilespmem:$0x1E400] =	vst v63  }
0xce: {  	_ = 	snop  }
0xcf: {  	[spmem:s5] =	stream.indirect.scatter.add.f32 [tilespmem:s8], [sflag:$0x3], $0x80, s9, s3, $0xb8;
	[tilespmem:$0x1E400] =	vst v63  }
0xd0: {  	_ = 	snop  }
0xd1: {  	[spmem:s4] =	stream.indirect.scatter.add.f32 [tilespmem:s16], [sflag:$0x4], $0x80, s31, s10, $0xb8;
	[tilespmem:$0x1E400] =	vst v63  }
0xd2: {  	_ =	swait.ge [sflag:s29], $0x4000  }
0xd3: {  	[sflag:s29] =	ssyncset.done $0x0  }
0xd4: {  	[sflag:s29] =	ssyncadd.s32 $0xFFFFC000  }
0xd5: {  	_ =	swait.ge [sflag:s14], $0x2000  }
.Ltmp6:
0xd6: {  	[sflag:s14] =	ssyncset.done $0x0;
	(pc) =	sbr.rel .LBB2_10-.Ltmp6, $4  }
0xd7: {  	[sflag:s14] =	ssyncadd.s32 $0xFFFFE000  }
0xd8: {  	_ =	swait.ge [sflag:s14], $0x2000  }
0xd9: {  	[sflag:s14] =	ssyncset.done $0x0  }
0xda: {  	[sflag:s14] =	ssyncadd.s32 $0xFFFFE000  }
.LBB2_11:
0xdb: {  	[bflag:$0x0] =	sbarrier.arrive $0xFFFF;
	s18 =	simm.s32 $0x0  }
.LBB2_12:
0xdc: {  	s11 =	sshll.u32 s18, $0x6  }
0xdd: {  	s19 =	sadd.s32 s13, s11  }
0xde: {  	s11 =	sshll.u32 s19, $0x7  }
0xdf: {  	s20 =	sadd.s32 s11, s4  }
0xe0: {  	[tilespmem:s30], [sflag:$0x4] =	stream.linear.gather [spmem:s20], $0x2000, $0x38;
	[tilespmem:$0x1E400] =	vst v63  }
0xe1: {  	_ =	swait.ge [sflag:s29], $0x2000  }
0xe2: {  	[sflag:s29] =	ssyncset.done $0x0  }
0xe3: {  	s11 =	sadd.s32 s11, s5;
	[sflag:s29] =	ssyncadd.s32 $0xFFFFE000  }
0xe4: {  	[tilespmem:s16], [sflag:$0x4] =	stream.linear.gather [spmem:s11], $0x2000, $0x38;
	[tilespmem:$0x1E400] =	vst v63  }
0xe5: {  	_ =	swait.ge [sflag:s29], $0x2000  }
0xe6: {  	[sflag:s29] =	ssyncset.done $0x0  }
0xe7: {  	s22 =	simm.s32 $0x0;
	[sflag:s29] =	ssyncadd.s32 $0xFFFFE000  }
0xe8: {  	v3 =	vld [tilespmem:s22+$0x18080];
	_ =	sdelay $0x4  }
0xe9: {  	v4 =	vmax.f32 v3, $1.000000000e+00  }
0xea: {  	(erf) = vrcp.f32 v4;
	_ =	sdelay $0x4  }
0xeb: {  	s21 =	simm.s32 $0x80;
	v4 =	vld [tilespmem:s22+$0x14080]  }
0xec: {  	v8 =	vld [tilespmem:s21+$0x18080]  }
0xed: {  	v5 =	vld [tilespmem:s22+$0x14090]  }
0xee: {  	v6 =	vld [tilespmem:s22+$0x140A0]  }
0xef: {  	v7 =	vld [tilespmem:s22+$0x140B0];
	vm0 =	vgt.f32 v3, $0.0e+00;
	v9 =	vpop (erf)  }
0xf0: {  	vm0 =	vmmov vm0;
	v4 =	vmul.f32 v9, v4  }
0xf1: {  	v3 =	vld [tilespmem:s22+$0x140C0];
	vm0 =	vmmov vm0  }
0xf2: {  	s20 =	simm.s32 $0x100;
	v10 =	vld [tilespmem:s22+$0x140D0];
	v5 =	vmul.f32 v5, v9;
	v4 =	vnsel vm0, $0x0, v4  }
0xf3: {  	v12 =	vld [tilespmem:s20+$0x18080];
	v6 =	vmul.f32 v6, v9;
	[tilespmem:s22+$0x14080] =	vst v4;
	v4 =	vmax.f32 v8, $1.000000000e+00  }
0xf4: {  	v11 =	vld [tilespmem:s22+$0x140E0];
	v5 =	vnsel vm0, $0x0, v5;
	(erf) = vrcp.f32 v4;
	v4 =	vmul.f32 v7, v9  }
0xf5: {  	v14 =	vld [tilespmem:s21+$0x14080];
	[tilespmem:s22+$0x14090] =	vst v5;
	v5 =	vnsel vm0, $0x0, v6  }
0xf6: {  	v3 =	vmul.f32 v3, v9;
	v7 =	vld [tilespmem:s21+$0x14090];
	[tilespmem:s22+$0x140A0] =	vst v5;
	v4 =	vnsel vm0, $0x0, v4  }
0xf7: {  	v6 =	vld [tilespmem:s21+$0x140A0];
	[tilespmem:s22+$0x140B0] =	vst v4;
	v4 =	vmul.f32 v10, v9  }
0xf8: {  	v13 =	vld [tilespmem:s22+$0x140F0];
	v3 =	vnsel vm0, $0x0, v3  }
0xf9: {  	v5 =	vld [tilespmem:s21+$0x140B0];
	[tilespmem:s22+$0x140C0] =	vst v3;
	v3 =	vnsel vm0, $0x0, v4  }
0xfa: {  	v4 =	vld [tilespmem:s21+$0x140C0];
	[tilespmem:s22+$0x140D0] =	vst v3;
	v3 =	vmax.f32 v12, $1.000000000e+00  }
0xfb: {  	v10 =	vmul.f32 v11, v9  }
0xfc: {  	vm2 =	vgt.f32 v8, $0.0e+00  }
0xfd: {  	v11 =	vnsel vm0, $0x0, v10;
	v10 =	vmul.f32 v13, v9;
	(erf) = vrcp.f32 v3;
	v3 =	vpop (erf)  }
0xfe: {  	s23 =	simm.s32 $0x600;
	vm1 =	vgt.f32 v12, $0.0e+00;
	vm2 =	vmmov vm2;
	v8 =	vld [tilespmem:s21+$0x140D0];
	[tilespmem:s22+$0x140E0] =	vst v11;
	v9 =	vmul.f32 v3, v14  }
.LBB2_13:
0xff: {  	s11 =	sshra.s32 s23, $0x2;
	p1 =	sne.s32 s23, $0x7E00;
	s23 =	sadd.s32 $0x200, s23;
	v7 =	vmul.f32 v7, v3;
	v11 =	vld [tilespmem:s21+$0x140E0];
	v10 =	vnsel vm0, $0x0, v10;
	vm0 =	vmmov vm2  }
0x100: {  	vm2 =	vmmov vm1;
	v12 =	vld [tilespmem:s11+$0x18080];
	v9 =	vnsel vm0, $0x0, v9;
	v6 =	vmul.f32 v6, v3;
	[tilespmem:s22+$0x140F0] =	vst v10;
	s22 =	smov.u32 s21;
	s21 =	smov.u32 s20;
	s20 =	smov.u32 s11  }
0x101: {  	[tilespmem:s22+$0x14080] =	vst v9;
	v7 =	vnsel vm0, $0x0, v7;
	v5 =	vmul.f32 v5, v3;
	v9 =	vld [tilespmem:s22+$0x140F0]  }
0x102: {  	v13 =	vld [tilespmem:s21+$0x14080];
	[tilespmem:s22+$0x14090] =	vst v7;
	v6 =	vnsel vm0, $0x0, v6;
	v4 =	vmul.f32 v4, v3  }
.Ltmp7:
0x103: {  	v7 =	vld [tilespmem:s21+$0x14090];
	[tilespmem:s22+$0x140A0] =	vst v6;
	v5 =	vnsel vm0, $0x0, v5;
	v8 =	vmul.f32 v8, v3;
	(pc) =	sbr.rel @p1 .LBB2_13-.Ltmp7, $4  }
0x104: {  	v6 =	vld [tilespmem:s21+$0x140A0];
	[tilespmem:s22+$0x140B0] =	vst v5;
	v4 =	vnsel vm0, $0x0, v4;
	v10 =	vmul.f32 v11, v3  }
0x105: {  	vm1 =	vgt.f32 v12, $0.0e+00;
	v11 =	vmax.f32 v12, $1.000000000e+00;
	v5 =	vld [tilespmem:s21+$0x140B0];
	[tilespmem:s22+$0x140C0] =	vst v4;
	v8 =	vnsel vm0, $0x0, v8  }
0x106: {  	(erf) = vrcp.f32 v11;
	v4 =	vld [tilespmem:s21+$0x140C0];
	[tilespmem:s22+$0x140D0] =	vst v8;
	v11 =	vnsel vm0, $0x0, v10;
	v10 =	vmul.f32 v9, v3;
	v3 =	vpop (erf)  }
0x107: {  	v9 =	vmul.f32 v3, v13;
	v8 =	vld [tilespmem:s21+$0x140D0];
	[tilespmem:s22+$0x140E0] =	vst v11  }
0x108: {  	v10 =	vnsel vm0, $0x0, v10  }
0x109: {  	v11 =	vld [tilespmem:s21+$0x140E0];
	vm14 =	vmmov vm2;
	v7 =	vmul.f32 v7, v3;
	[tilespmem:s22+$0x140F0] =	vst v10  }
0x10a: {  	v9 =	vnsel vm14, $0x0, v9;
	v6 =	vmul.f32 v6, v3;
	v54 =	vld [tilespmem:s21+$0x140F0]  }
0x10b: {  	[tilespmem:s21+$0x14080] =	vst v9;
	v7 =	vnsel vm14, $0x0, v7;
	v5 =	vmul.f32 v5, v3  }
0x10c: {  	v10 =	vld [tilespmem:s20+$0x14080];
	[tilespmem:s21+$0x14090] =	vst v7;
	v6 =	vnsel vm14, $0x0, v6;
	v4 =	vmul.f32 v4, v3  }
0x10d: {  	v7 =	vld [tilespmem:s20+$0x14090];
	[tilespmem:s21+$0x140A0] =	vst v6;
	v5 =	vnsel vm14, $0x0, v5;
	v55 =	vmul.f32 v8, v3  }
0x10e: {  	v6 =	vld [tilespmem:s20+$0x140A0];
	[tilespmem:s21+$0x140B0] =	vst v5;
	v4 =	vnsel vm14, $0x0, v4;
	v57 =	vmul.f32 v11, v3  }
0x10f: {  	v56 =	vld [tilespmem:s20+$0x140B0];
	[tilespmem:s21+$0x140C0] =	vst v4;
	v5 =	vnsel vm14, $0x0, v55;
	v3 =	vmul.f32 v54, v3  }
0x110: {  	v58 =	vld [tilespmem:s20+$0x140C0];
	[tilespmem:s21+$0x140D0] =	vst v5;
	v59 =	vpop (erf);
	v4 =	vnsel vm14, $0x0, v57  }
0x111: {  	vm1 =	vmmov vm1;
	v60 =	vld [tilespmem:s20+$0x140D0];
	v10 =	vmul.f32 v59, v10;
	[tilespmem:s21+$0x140E0] =	vst v4;
	v3 =	vnsel vm14, $0x0, v3  }
0x112: {  	vm15 =	vmmov vm1;
	v4 =	vld [tilespmem:s20+$0x140E0];
	[tilespmem:s21+$0x140F0] =	vst v3;
	v3 =	vmul.f32 v7, v59  }
0x113: {  	v10 =	vnsel vm15, $0x0, v10;
	v6 =	vmul.f32 v6, v59;
	v61 =	vld [tilespmem:s20+$0x140F0]  }
0x114: {  	[tilespmem:s20+$0x14080] =	vst v10;
	v8 =	vmul.f32 v56, v59;
	v3 =	vnsel vm15, $0x0, v3  }
0x115: {  	v62 =	vmul.f32 v58, v59;
	[tilespmem:s20+$0x14090] =	vst v3;
	v3 =	vnsel vm15, $0x0, v6  }
0x116: {  	v63 =	vmul.f32 v60, v59;
	[tilespmem:s20+$0x140A0] =	vst v3;
	v3 =	vnsel vm15, $0x0, v8  }
0x117: {  	v4 =	vmul.f32 v4, v59;
	[tilespmem:s20+$0x140B0] =	vst v3;
	v3 =	vnsel vm15, $0x0, v62  }
0x118: {  	[tilespmem:s20+$0x140C0] =	vst v3;
	v3 =	vnsel vm15, $0x0, v63;
	v5 =	vmul.f32 v61, v59  }
0x119: {  	s11 =	sadd.s32 s12, s19;
	s18 =	sadd.s32 $0x1, s18;
	[tilespmem:s20+$0x140D0] =	vst v3;
	v3 =	vnsel vm15, $0x0, v4  }
0x11a: {  	s11 =	sshll.u32 s11, $0x4;
	p1 =	sne.s32 s18, $0x5;
	[tilespmem:s20+$0x140E0] =	vst v3;
	v3 =	vnsel vm15, $0x0, v5  }
.Ltmp8:
0x11b: {  	s11 =	sadd.s32 s7, s11;
	[tilespmem:s20+$0x140F0] =	vst v3;
	(pc) =	sbr.rel @p1 .LBB2_12-.Ltmp8, $4  }
0x11c: {  	[hbm4b:s11+s6] =	stream.linear.scatter [tilespmem:s30], [sflag:$0x4], $0x2000, $0x38;
	[tilespmem:$0x1E400] =	vst v63  }
0x11d: {  	_ =	swait.ge [sflag:s29], $0x2000  }
0x11e: {  	[sflag:s29] =	ssyncset.done $0x0  }
0x11f: {  	[sflag:s29] =	ssyncadd.s32 $0xFFFFE000  }
0x120: {  	s17 =	sadd.s32 $0x1, s17;
	s11 =	rddreg [dreg:$0xa]  }
0x121: {  	p1 =	sne.s32 s17, s11  }
.Ltmp9:
0x122: {  	_ = 	snop;
	(pc) =	sbr.rel @p1 .LBB2_1-.Ltmp9, $1  }
0x123: {  	_ =	sdelay $0x3  }
0x124: {  	_ =	sfence.sel $0x180000  }
0x125: {  	[bflag:$0x0] =	sbarrier.arrive $0xFFFF  }
0x126: {  	_ =	strace $0x90000047  }
0x127: {  	[bflag:$0x2] =	sbarrier.arrive $0xFFFF  }
0x128: {  	s0 =	rddreg [dreg:$0x6]  }
0x129: {  	s0 =	sadd.s32 @!p0 $0x100000, s0  }
0x12a: {  	[sflag:s0] =	ssyncadd.tile.s32 @!p0 $0x1;
	_ =	shalt  }
.Lfunc_end2:
_tile_overlayer_lowered:
.L_overlay_start_2:
0x12b: {  	(tag) =	ssettag $0x2  }
0x12c: {  	s0 =	rddreg [dreg:$0x0];
	s2 =	stileid.u32  }
0x12d: {  	s1 =	rddreg [dreg:$0x1];
	p0 =	sne.s32 s2, $0x0  }
0x12e: {  	s3 =	rddreg [dreg:$0x2];
	[bflag:$0x3] =	sbarrier.arrive $0xFFFF;
	s2 =	simm.s32 @!p0 $0x1C04  }
0x12f: {  	[timem:s3], [sflag:s2] =	dma.local @!p0 [hbm:s0], s1  }
0x130: {  	s0 =	simm.s32 @!p0 $0x4  }
0x131: {  	_ =	swait.ge @!p0 [sflag:s0], s1  }
0x132: {  	s1 =	ssub.s32 @!p0 $0x0, s1;
	[sflag:s0] =	ssyncset.done @!p0 $0x0  }
0x133: {  	[sflag:s0] =	ssyncadd.s32 @!p0 s1  }
0x134: {  	[bflag:$0x3] =	sbarrier.arrive $0xFFFF  }
0x135: {  	_ =	shalt  }

</sc_bundles>
